<compile_context>
chip_gen: v7x
topology: tpu7x:2x2x1
jax: 0.10.2.dev20260603
libtpu: 0.0.44.dev20260713+nightly
codegen_flags: <defaults>
</compile_context>

<pallas_src>
import functools

import jax
import jax.numpy as jnp
from jax import lax
from jax.experimental import pallas as pl
from jax.experimental.pallas import tpu as pltpu
from jax.experimental.pallas import tpu_sc as plsc

B = 16384
D = 128
NC = 2
NS = 16
NW = NC * NS

CHUNKS = 2
CB = B // CHUNKS
BPW = CB // NW

H1, H2, H3 = 512, 256, 128
TB = 4096


def _make_gather_body(chunk_base):
    def _gather_body(uid_hbm, iid_hbm, utab_hbm, itab_hbm, u_out, i_out,
                     uidx_v, iidx_v, urows_v, irows_v, usem, isem):
        wid = lax.axis_index("s") * NC + lax.axis_index("c")
        in_sl = pl.ds(chunk_base + wid * BPW, BPW)
        out_sl = pl.ds(wid * BPW, BPW)
        pltpu.sync_copy(uid_hbm.at[in_sl], uidx_v)
        ucp = pltpu.async_copy(utab_hbm.at[uidx_v], urows_v, usem)
        pltpu.sync_copy(iid_hbm.at[in_sl], iidx_v)
        icp = pltpu.async_copy(itab_hbm.at[iidx_v], irows_v, isem)
        ucp.wait()
        pltpu.sync_copy(urows_v, u_out.at[out_sl])
        icp.wait()
        pltpu.sync_copy(irows_v, i_out.at[out_sl])
    return _gather_body


@functools.cache
def _gather2(chunk_base):
    return pl.kernel(
        _make_gather_body(chunk_base),
        out_type=[
            jax.ShapeDtypeStruct((CB, D), jnp.float32),
            jax.ShapeDtypeStruct((CB, D), jnp.float32),
        ],
        mesh=plsc.VectorSubcoreMesh(core_axis_name="c", subcore_axis_name="s"),
        scratch_types=[
            pltpu.VMEM((BPW,), jnp.int32),
            pltpu.VMEM((BPW,), jnp.int32),
            pltpu.VMEM((BPW, D), jnp.float32),
            pltpu.VMEM((BPW, D), jnp.float32),
            pltpu.SemaphoreType.DMA,
            pltpu.SemaphoreType.DMA,
        ],
    )


def _mlp_body(u_ref, i_ref, w1_ref, b1_ref, w2_ref, b2_ref,
              w3_ref, b3_ref, w4t_ref, b4_ref, out_ref):
    f32, bf16 = jnp.float32, jnp.bfloat16
    zero = jnp.bfloat16(0.0)
    x = jnp.concatenate([u_ref[...], i_ref[...]], axis=1).astype(bf16)
    h = jnp.dot(x, w1_ref[...], preferred_element_type=f32).astype(bf16)
    h = jnp.maximum(h + b1_ref[...], zero)
    h = jnp.maximum(
        jnp.dot(h, w2_ref[...], preferred_element_type=f32).astype(bf16)
        + b2_ref[...], zero)
    h = jnp.maximum(
        jnp.dot(h, w3_ref[...], preferred_element_type=f32).astype(bf16)
        + b3_ref[...], zero)
    ot = lax.dot_general(w4t_ref[...], h,
                         (((1,), (1,)), ((), ())),
                         preferred_element_type=f32)
    out_ref[...] = (ot + b4_ref[...])[0]


def _mlp_body_acc(dst_ref, u_ref, i_ref, w1_ref, b1_ref, w2_ref, b2_ref,
                  w3_ref, b3_ref, w4t_ref, b4_ref, out_ref):
    del dst_ref
    _mlp_body(u_ref, i_ref, w1_ref, b1_ref, w2_ref, b2_ref,
              w3_ref, b3_ref, w4t_ref, b4_ref, out_ref)


def _mlp(dst, u_emb, i_emb, w1, b1, w2, b2, w3, b3, w4t, b4, block_off,
         interpret=False):
    const = lambda shape: pl.BlockSpec(shape, lambda n: (0, 0))
    out_spec = pl.BlockSpec((TB,), lambda n: (n + block_off,))
    in_specs = [
        pl.BlockSpec((TB, D), lambda n: (n, 0)),
        pl.BlockSpec((TB, D), lambda n: (n, 0)),
        const((2 * D, H1)),
        const((1, H1)),
        const((H1, H2)),
        const((1, H2)),
        const((H2, H3)),
        const((1, H3)),
        const((1, H3)),
        const((1, 1)),
    ]
    args = (u_emb, i_emb, w1, b1, w2, b2, w3, b3, w4t, b4)
    if dst is not None:
        in_specs = [out_spec] + in_specs
        args = (dst,) + args
    return pl.pallas_call(
        _mlp_body_acc if dst is not None else _mlp_body,
        grid=(CB // TB,),
        in_specs=in_specs,
        out_specs=out_spec,
        out_shape=jax.ShapeDtypeStruct((B,), jnp.float32),
        input_output_aliases={0: 0} if dst is not None else {},
        interpret=interpret,
    )(*args)


def kernel(user_ids, item_ids, user_table, item_table,
           W1, b1, W2, b2, W3, b3, W4, b4):
    bf16 = jnp.bfloat16
    uids = user_ids.astype(jnp.int32)
    iids = item_ids.astype(jnp.int32)
    wargs = (W1.astype(bf16), b1.reshape(1, -1).astype(bf16),
             W2.astype(bf16), b2.reshape(1, -1).astype(bf16),
             W3.astype(bf16), b3.reshape(1, -1).astype(bf16),
             W4.reshape(1, -1).astype(bf16), b4.reshape(1, 1))
    out = None
    for c in range(CHUNKS):
        u_emb, i_emb = _gather2(c * CB)(uids, iids, user_table, item_table)
        out = _mlp(out, u_emb, i_emb, *wargs, block_off=c * (CB // TB))
    return out

# --- scband reference (transcript-rebuilt; emitter-appended) ---
"""Pipeline reference for scband-neural-cf-56590489092154 (READ-ONLY COPY).

The authoritative reference and input builder live on the scoring server;
editing this copy changes nothing except your own understanding.
"""

import jax, jax.numpy as jnp
import numpy as np

NUM_USERS = 100000
NUM_ITEMS = 100000
D = 128
B = 16384
HIDDEN = [512, 256, 128, 1]


def setup_inputs(seed: int = 0) -> dict:
    key = jax.random.key(seed)
    ks = jax.random.split(key, 16)
    user_ids = jax.random.randint(ks[0], (B,), 0, NUM_USERS, dtype=jnp.int64 if jax.config.jax_enable_x64 else jnp.int32)
    item_ids = jax.random.randint(ks[1], (B,), 0, NUM_ITEMS, dtype=jnp.int64 if jax.config.jax_enable_x64 else jnp.int32)
    user_table = jax.random.normal(ks[2], (NUM_USERS, D), dtype=jnp.float32) * 0.01
    item_table = jax.random.normal(ks[3], (NUM_ITEMS, D), dtype=jnp.float32) * 0.01
    dims = [2 * D] + HIDDEN
    params = {}
    for i in range(len(HIDDEN)):
        fan_in = dims[i]
        # kaiming normal init: std = sqrt(2 / fan_in)
        W = jax.random.normal(ks[4 + i], (fan_in, dims[i + 1]), dtype=jnp.float32) * np.sqrt(2.0 / fan_in)
        b = jnp.zeros((dims[i + 1],), dtype=jnp.float32)
        params[f"W{i+1}"] = W
        params[f"b{i+1}"] = b
    out = {"user_ids": user_ids, "item_ids": item_ids, "user_table": user_table, "item_table": item_table}
    out.update(params)
    return out


def reference(user_ids, item_ids, user_table, item_table, W1, b1, W2, b2, W3, b3, W4, b4):
    # embedding lookups
    u_emb = jnp.take(user_table, user_ids, axis=0)
    i_emb = jnp.take(item_table, item_ids, axis=0)
    h = jnp.concatenate([u_emb, i_emb], axis=1)
    # MLP: Linear -> ReLU (+ dropout identity at inference) for hidden layers, final layer linear
    h = jax.nn.relu(h @ W1 + b1)
    h = jax.nn.relu(h @ W2 + b2)
    h = jax.nn.relu(h @ W3 + b3)
    logits = h @ W4 + b4
    return logits.reshape(-1)

if __name__ == "__main__":
    import jax
    _d = setup_inputs()
    print(jax.jit(kernel)(*tuple(_d.values())))

</pallas_src>

<mosaic_0001>
#map = affine_map<(d0, d1) -> (0)>
#map1 = affine_map<(d0, d1) -> (0, 0)>
module attributes {stable_mosaic.version = 14 : i64} {
  func.func @_gather_body(%arg0: i32, %arg1: i32, %arg2: memref<16384xi32, #tpu.memory_space<hbm>>, %arg3: memref<16384xi32, #tpu.memory_space<hbm>>, %arg4: memref<100000x128xf32, #tpu.memory_space<hbm>>, %arg5: memref<100000x128xf32, #tpu.memory_space<hbm>>, %arg6: memref<8192x128xf32, #tpu.memory_space<hbm>>, %arg7: memref<8192x128xf32, #tpu.memory_space<hbm>>, %arg8: memref<256xi32, #tpu.memory_space<vmem>>, %arg9: memref<256xi32, #tpu.memory_space<vmem>>, %arg10: memref<256x128xf32, #tpu.memory_space<vmem>>, %arg11: memref<256x128xf32, #tpu.memory_space<vmem>>, %arg12: memref<!tpu.dma_semaphore, #tpu.memory_space<semaphore_mem>>, %arg13: memref<!tpu.dma_semaphore, #tpu.memory_space<semaphore_mem>>) attributes {dimension_semantics = [#tpu.dimension_semantics<core_parallel>, #tpu.dimension_semantics<subcore_parallel>], iteration_bounds = array<i64: 2, 16>, scalar_prefetch = 0 : i64, scratch_operands = 6 : i64, tpu.core_type = #tpu.core_type<sc_vector_subcore>, window_params = [{transform_indices = #map}, {transform_indices = #map}, {transform_indices = #map1}, {transform_indices = #map1}, {transform_indices = #map1}, {transform_indices = #map1}]} {
    %mul3A = arith.constant 2 : i32
    %mul3A_0 = arith.muli %arg1, %mul3A : i32
    %add3A = arith.addi %mul3A_0, %arg0 : i32
    %mul3A_1 = arith.constant 256 : i32
    %mul3A_2 = arith.muli %add3A, %mul3A_1 : i32
    %add3A_3 = arith.constant 8192 : i32
    %add3A_4 = arith.addi %add3A_3, %mul3A_2 : i32
    %mul3A_5 = arith.constant 256 : i32
    %mul3A_6 = arith.muli %add3A, %mul3A_5 : i32
    "tpu.region"() ({
      %run_scoped3A = tpu.sem_alloc : memref<!tpu.dma_semaphore, #tpu.memory_space<semaphore_mem>>
      %dma_start3A_17 = tpu.memref_slice %arg2[%add3A_4] : memref<16384xi32, #tpu.memory_space<hbm>> -> memref<256xi32, #tpu.memory_space<hbm>>
      %dma_start3A_18 = tpu.memref_slice %arg2[%add3A_4] : memref<16384xi32, #tpu.memory_space<hbm>> -> memref<256xi32, #tpu.memory_space<hbm>>
      tpu.enqueue_dma source(%dma_start3A_18 : memref<256xi32, #tpu.memory_space<hbm>>) target(%arg8 : memref<256xi32, #tpu.memory_space<vmem>>) target_semaphore(%run_scoped3A : memref<!tpu.dma_semaphore, #tpu.memory_space<semaphore_mem>>)
      %dma_wait3A_19 = tpu.memref_slice %arg2[%add3A_4] : memref<16384xi32, #tpu.memory_space<hbm>> -> memref<256xi32, #tpu.memory_space<hbm>>
      %dma_wait3A_20 = tpu.memref_slice %arg2[%add3A_4] : memref<16384xi32, #tpu.memory_space<hbm>> -> memref<256xi32, #tpu.memory_space<hbm>>
      tpu.wait_dma2 semaphore(%run_scoped3A : memref<!tpu.dma_semaphore, #tpu.memory_space<semaphore_mem>>) src(%dma_wait3A_20 : memref<256xi32, #tpu.memory_space<hbm>>) dst(%arg8 : memref<256xi32, #tpu.memory_space<vmem>>)
      tpu.yield
    }) : () -> ()
    %dma_start3A = arith.constant 0 : i32
    %dma_start3A_7 = arith.constant 0 : i32
    %dma_start3A_8 = tpu.memref_slice %arg4[%dma_start3A, %dma_start3A_7] : memref<100000x128xf32, #tpu.memory_space<hbm>> -> memref<100000x128xf32, #tpu.memory_space<hbm>>
    tpu.enqueue_indirect_dma source(%dma_start3A_8 : memref<100000x128xf32, #tpu.memory_space<hbm>>) target(%arg10 : memref<256x128xf32, #tpu.memory_space<vmem>>) offsets(%arg8 : memref<256xi32, #tpu.memory_space<vmem>>) semaphore(%arg12 : memref<!tpu.dma_semaphore, #tpu.memory_space<semaphore_mem>>)
    "tpu.region"() ({
      %run_scoped3A = tpu.sem_alloc : memref<!tpu.dma_semaphore, #tpu.memory_space<semaphore_mem>>
      %dma_start3A_17 = tpu.memref_slice %arg3[%add3A_4] : memref<16384xi32, #tpu.memory_space<hbm>> -> memref<256xi32, #tpu.memory_space<hbm>>
      %dma_start3A_18 = tpu.memref_slice %arg3[%add3A_4] : memref<16384xi32, #tpu.memory_space<hbm>> -> memref<256xi32, #tpu.memory_space<hbm>>
      tpu.enqueue_dma source(%dma_start3A_18 : memref<256xi32, #tpu.memory_space<hbm>>) target(%arg9 : memref<256xi32, #tpu.memory_space<vmem>>) target_semaphore(%run_scoped3A : memref<!tpu.dma_semaphore, #tpu.memory_space<semaphore_mem>>)
      %dma_wait3A_19 = tpu.memref_slice %arg3[%add3A_4] : memref<16384xi32, #tpu.memory_space<hbm>> -> memref<256xi32, #tpu.memory_space<hbm>>
      %dma_wait3A_20 = tpu.memref_slice %arg3[%add3A_4] : memref<16384xi32, #tpu.memory_space<hbm>> -> memref<256xi32, #tpu.memory_space<hbm>>
      tpu.wait_dma2 semaphore(%run_scoped3A : memref<!tpu.dma_semaphore, #tpu.memory_space<semaphore_mem>>) src(%dma_wait3A_20 : memref<256xi32, #tpu.memory_space<hbm>>) dst(%arg9 : memref<256xi32, #tpu.memory_space<vmem>>)
      tpu.yield
    }) : () -> ()
    %dma_start3A_9 = arith.constant 0 : i32
    %dma_start3A_10 = arith.constant 0 : i32
    %dma_start3A_11 = tpu.memref_slice %arg5[%dma_start3A_9, %dma_start3A_10] : memref<100000x128xf32, #tpu.memory_space<hbm>> -> memref<100000x128xf32, #tpu.memory_space<hbm>>
    tpu.enqueue_indirect_dma source(%dma_start3A_11 : memref<100000x128xf32, #tpu.memory_space<hbm>>) target(%arg11 : memref<256x128xf32, #tpu.memory_space<vmem>>) offsets(%arg9 : memref<256xi32, #tpu.memory_space<vmem>>) semaphore(%arg13 : memref<!tpu.dma_semaphore, #tpu.memory_space<semaphore_mem>>)
    %dma_wait3A = arith.constant 0 : i32
    %dma_wait3A_12 = arith.constant 0 : i32
    %dma_wait3A_13 = tpu.memref_slice %arg4[%dma_wait3A, %dma_wait3A_12] : memref<100000x128xf32, #tpu.memory_space<hbm>> -> memref<100000x128xf32, #tpu.memory_space<hbm>>
    tpu.wait_indirect_dma semaphore(%arg12 : memref<!tpu.dma_semaphore, #tpu.memory_space<semaphore_mem>>) src(%dma_wait3A_13 : memref<100000x128xf32, #tpu.memory_space<hbm>>) dst(%arg10 : memref<256x128xf32, #tpu.memory_space<vmem>>)
    "tpu.region"() ({
      %run_scoped3A = tpu.sem_alloc : memref<!tpu.dma_semaphore, #tpu.memory_space<semaphore_mem>>
      %dma_start3A_17 = arith.constant 0 : i32
      %dma_start3A_18 = tpu.memref_slice %arg6[%mul3A_6, %dma_start3A_17] : memref<8192x128xf32, #tpu.memory_space<hbm>> -> memref<256x128xf32, #tpu.memory_space<hbm>>
      %dma_start3A_19 = arith.constant 0 : i32
      %dma_start3A_20 = tpu.memref_slice %arg6[%mul3A_6, %dma_start3A_19] : memref<8192x128xf32, #tpu.memory_space<hbm>> -> memref<256x128xf32, #tpu.memory_space<hbm>>
      tpu.enqueue_dma source(%arg10 : memref<256x128xf32, #tpu.memory_space<vmem>>) target(%dma_start3A_20 : memref<256x128xf32, #tpu.memory_space<hbm>>) target_semaphore(%run_scoped3A : memref<!tpu.dma_semaphore, #tpu.memory_space<semaphore_mem>>)
      %dma_wait3A_21 = arith.constant 0 : i32
      %dma_wait3A_22 = tpu.memref_slice %arg6[%mul3A_6, %dma_wait3A_21] : memref<8192x128xf32, #tpu.memory_space<hbm>> -> memref<256x128xf32, #tpu.memory_space<hbm>>
      %dma_wait3A_23 = arith.constant 0 : i32
      %dma_wait3A_24 = tpu.memref_slice %arg6[%mul3A_6, %dma_wait3A_23] : memref<8192x128xf32, #tpu.memory_space<hbm>> -> memref<256x128xf32, #tpu.memory_space<hbm>>
      tpu.wait_dma2 semaphore(%run_scoped3A : memref<!tpu.dma_semaphore, #tpu.memory_space<semaphore_mem>>) src(%arg10 : memref<256x128xf32, #tpu.memory_space<vmem>>) dst(%dma_wait3A_24 : memref<256x128xf32, #tpu.memory_space<hbm>>)
      tpu.yield
    }) : () -> ()
    %dma_wait3A_14 = arith.constant 0 : i32
    %dma_wait3A_15 = arith.constant 0 : i32
    %dma_wait3A_16 = tpu.memref_slice %arg5[%dma_wait3A_14, %dma_wait3A_15] : memref<100000x128xf32, #tpu.memory_space<hbm>> -> memref<100000x128xf32, #tpu.memory_space<hbm>>
    tpu.wait_indirect_dma semaphore(%arg13 : memref<!tpu.dma_semaphore, #tpu.memory_space<semaphore_mem>>) src(%dma_wait3A_16 : memref<100000x128xf32, #tpu.memory_space<hbm>>) dst(%arg11 : memref<256x128xf32, #tpu.memory_space<vmem>>)
    "tpu.region"() ({
      %run_scoped3A = tpu.sem_alloc : memref<!tpu.dma_semaphore, #tpu.memory_space<semaphore_mem>>
      %dma_start3A_17 = arith.constant 0 : i32
      %dma_start3A_18 = tpu.memref_slice %arg7[%mul3A_6, %dma_start3A_17] : memref<8192x128xf32, #tpu.memory_space<hbm>> -> memref<256x128xf32, #tpu.memory_space<hbm>>
      %dma_start3A_19 = arith.constant 0 : i32
      %dma_start3A_20 = tpu.memref_slice %arg7[%mul3A_6, %dma_start3A_19] : memref<8192x128xf32, #tpu.memory_space<hbm>> -> memref<256x128xf32, #tpu.memory_space<hbm>>
      tpu.enqueue_dma source(%arg11 : memref<256x128xf32, #tpu.memory_space<vmem>>) target(%dma_start3A_20 : memref<256x128xf32, #tpu.memory_space<hbm>>) target_semaphore(%run_scoped3A : memref<!tpu.dma_semaphore, #tpu.memory_space<semaphore_mem>>)
      %dma_wait3A_21 = arith.constant 0 : i32
      %dma_wait3A_22 = tpu.memref_slice %arg7[%mul3A_6, %dma_wait3A_21] : memref<8192x128xf32, #tpu.memory_space<hbm>> -> memref<256x128xf32, #tpu.memory_space<hbm>>
      %dma_wait3A_23 = arith.constant 0 : i32
      %dma_wait3A_24 = tpu.memref_slice %arg7[%mul3A_6, %dma_wait3A_23] : memref<8192x128xf32, #tpu.memory_space<hbm>> -> memref<256x128xf32, #tpu.memory_space<hbm>>
      tpu.wait_dma2 semaphore(%run_scoped3A : memref<!tpu.dma_semaphore, #tpu.memory_space<semaphore_mem>>) src(%arg11 : memref<256x128xf32, #tpu.memory_space<vmem>>) dst(%dma_wait3A_24 : memref<256x128xf32, #tpu.memory_space<hbm>>)
      tpu.yield
    }) : () -> ()
    return
  }
}

#map = affine_map<(d0, d1) -> (0)>
#map1 = affine_map<(d0, d1) -> (0, 0)>
module attributes {stable_mosaic.version = 14 : i64} {
  func.func @_gather_body(%arg0: i32, %arg1: i32, %arg2: memref<16384xi32, #tpu.memory_space<hbm>>, %arg3: memref<16384xi32, #tpu.memory_space<hbm>>, %arg4: memref<100000x128xf32, #tpu.memory_space<hbm>>, %arg5: memref<100000x128xf32, #tpu.memory_space<hbm>>, %arg6: memref<8192x128xf32, #tpu.memory_space<hbm>>, %arg7: memref<8192x128xf32, #tpu.memory_space<hbm>>, %arg8: memref<256xi32, #tpu.memory_space<vmem>>, %arg9: memref<256xi32, #tpu.memory_space<vmem>>, %arg10: memref<256x128xf32, #tpu.memory_space<vmem>>, %arg11: memref<256x128xf32, #tpu.memory_space<vmem>>, %arg12: memref<!tpu.dma_semaphore, #tpu.memory_space<semaphore_mem>>, %arg13: memref<!tpu.dma_semaphore, #tpu.memory_space<semaphore_mem>>) attributes {dimension_semantics = [#tpu.dimension_semantics<core_parallel>, #tpu.dimension_semantics<subcore_parallel>], iteration_bounds = array<i64: 2, 16>, scalar_prefetch = 0 : i64, scratch_operands = 6 : i64, tpu.core_type = #tpu.core_type<sc_vector_subcore>, window_params = [{transform_indices = #map}, {transform_indices = #map}, {transform_indices = #map1}, {transform_indices = #map1}, {transform_indices = #map1}, {transform_indices = #map1}]} {
    %mul3A = arith.constant 2 : i32
    %mul3A_0 = arith.muli %arg1, %mul3A : i32
    %add3A = arith.addi %mul3A_0, %arg0 : i32
    %mul3A_1 = arith.constant 256 : i32
    %mul3A_2 = arith.muli %add3A, %mul3A_1 : i32
    %add3A_3 = arith.constant 0 : i32
    %add3A_4 = arith.addi %add3A_3, %mul3A_2 : i32
    %mul3A_5 = arith.constant 256 : i32
    %mul3A_6 = arith.muli %add3A, %mul3A_5 : i32
    "tpu.region"() ({
      %run_scoped3A = tpu.sem_alloc : memref<!tpu.dma_semaphore, #tpu.memory_space<semaphore_mem>>
      %dma_start3A_17 = tpu.memref_slice %arg2[%add3A_4] : memref<16384xi32, #tpu.memory_space<hbm>> -> memref<256xi32, #tpu.memory_space<hbm>>
      %dma_start3A_18 = tpu.memref_slice %arg2[%add3A_4] : memref<16384xi32, #tpu.memory_space<hbm>> -> memref<256xi32, #tpu.memory_space<hbm>>
      tpu.enqueue_dma source(%dma_start3A_18 : memref<256xi32, #tpu.memory_space<hbm>>) target(%arg8 : memref<256xi32, #tpu.memory_space<vmem>>) target_semaphore(%run_scoped3A : memref<!tpu.dma_semaphore, #tpu.memory_space<semaphore_mem>>)
      %dma_wait3A_19 = tpu.memref_slice %arg2[%add3A_4] : memref<16384xi32, #tpu.memory_space<hbm>> -> memref<256xi32, #tpu.memory_space<hbm>>
      %dma_wait3A_20 = tpu.memref_slice %arg2[%add3A_4] : memref<16384xi32, #tpu.memory_space<hbm>> -> memref<256xi32, #tpu.memory_space<hbm>>
      tpu.wait_dma2 semaphore(%run_scoped3A : memref<!tpu.dma_semaphore, #tpu.memory_space<semaphore_mem>>) src(%dma_wait3A_20 : memref<256xi32, #tpu.memory_space<hbm>>) dst(%arg8 : memref<256xi32, #tpu.memory_space<vmem>>)
      tpu.yield
    }) : () -> ()
    %dma_start3A = arith.constant 0 : i32
    %dma_start3A_7 = arith.constant 0 : i32
    %dma_start3A_8 = tpu.memref_slice %arg4[%dma_start3A, %dma_start3A_7] : memref<100000x128xf32, #tpu.memory_space<hbm>> -> memref<100000x128xf32, #tpu.memory_space<hbm>>
    tpu.enqueue_indirect_dma source(%dma_start3A_8 : memref<100000x128xf32, #tpu.memory_space<hbm>>) target(%arg10 : memref<256x128xf32, #tpu.memory_space<vmem>>) offsets(%arg8 : memref<256xi32, #tpu.memory_space<vmem>>) semaphore(%arg12 : memref<!tpu.dma_semaphore, #tpu.memory_space<semaphore_mem>>)
    "tpu.region"() ({
      %run_scoped3A = tpu.sem_alloc : memref<!tpu.dma_semaphore, #tpu.memory_space<semaphore_mem>>
      %dma_start3A_17 = tpu.memref_slice %arg3[%add3A_4] : memref<16384xi32, #tpu.memory_space<hbm>> -> memref<256xi32, #tpu.memory_space<hbm>>
      %dma_start3A_18 = tpu.memref_slice %arg3[%add3A_4] : memref<16384xi32, #tpu.memory_space<hbm>> -> memref<256xi32, #tpu.memory_space<hbm>>
      tpu.enqueue_dma source(%dma_start3A_18 : memref<256xi32, #tpu.memory_space<hbm>>) target(%arg9 : memref<256xi32, #tpu.memory_space<vmem>>) target_semaphore(%run_scoped3A : memref<!tpu.dma_semaphore, #tpu.memory_space<semaphore_mem>>)
      %dma_wait3A_19 = tpu.memref_slice %arg3[%add3A_4] : memref<16384xi32, #tpu.memory_space<hbm>> -> memref<256xi32, #tpu.memory_space<hbm>>
      %dma_wait3A_20 = tpu.memref_slice %arg3[%add3A_4] : memref<16384xi32, #tpu.memory_space<hbm>> -> memref<256xi32, #tpu.memory_space<hbm>>
      tpu.wait_dma2 semaphore(%run_scoped3A : memref<!tpu.dma_semaphore, #tpu.memory_space<semaphore_mem>>) src(%dma_wait3A_20 : memref<256xi32, #tpu.memory_space<hbm>>) dst(%arg9 : memref<256xi32, #tpu.memory_space<vmem>>)
      tpu.yield
    }) : () -> ()
    %dma_start3A_9 = arith.constant 0 : i32
    %dma_start3A_10 = arith.constant 0 : i32
    %dma_start3A_11 = tpu.memref_slice %arg5[%dma_start3A_9, %dma_start3A_10] : memref<100000x128xf32, #tpu.memory_space<hbm>> -> memref<100000x128xf32, #tpu.memory_space<hbm>>
    tpu.enqueue_indirect_dma source(%dma_start3A_11 : memref<100000x128xf32, #tpu.memory_space<hbm>>) target(%arg11 : memref<256x128xf32, #tpu.memory_space<vmem>>) offsets(%arg9 : memref<256xi32, #tpu.memory_space<vmem>>) semaphore(%arg13 : memref<!tpu.dma_semaphore, #tpu.memory_space<semaphore_mem>>)
    %dma_wait3A = arith.constant 0 : i32
    %dma_wait3A_12 = arith.constant 0 : i32
    %dma_wait3A_13 = tpu.memref_slice %arg4[%dma_wait3A, %dma_wait3A_12] : memref<100000x128xf32, #tpu.memory_space<hbm>> -> memref<100000x128xf32, #tpu.memory_space<hbm>>
    tpu.wait_indirect_dma semaphore(%arg12 : memref<!tpu.dma_semaphore, #tpu.memory_space<semaphore_mem>>) src(%dma_wait3A_13 : memref<100000x128xf32, #tpu.memory_space<hbm>>) dst(%arg10 : memref<256x128xf32, #tpu.memory_space<vmem>>)
    "tpu.region"() ({
      %run_scoped3A = tpu.sem_alloc : memref<!tpu.dma_semaphore, #tpu.memory_space<semaphore_mem>>
      %dma_start3A_17 = arith.constant 0 : i32
      %dma_start3A_18 = tpu.memref_slice %arg6[%mul3A_6, %dma_start3A_17] : memref<8192x128xf32, #tpu.memory_space<hbm>> -> memref<256x128xf32, #tpu.memory_space<hbm>>
      %dma_start3A_19 = arith.constant 0 : i32
      %dma_start3A_20 = tpu.memref_slice %arg6[%mul3A_6, %dma_start3A_19] : memref<8192x128xf32, #tpu.memory_space<hbm>> -> memref<256x128xf32, #tpu.memory_space<hbm>>
      tpu.enqueue_dma source(%arg10 : memref<256x128xf32, #tpu.memory_space<vmem>>) target(%dma_start3A_20 : memref<256x128xf32, #tpu.memory_space<hbm>>) target_semaphore(%run_scoped3A : memref<!tpu.dma_semaphore, #tpu.memory_space<semaphore_mem>>)
      %dma_wait3A_21 = arith.constant 0 : i32
      %dma_wait3A_22 = tpu.memref_slice %arg6[%mul3A_6, %dma_wait3A_21] : memref<8192x128xf32, #tpu.memory_space<hbm>> -> memref<256x128xf32, #tpu.memory_space<hbm>>
      %dma_wait3A_23 = arith.constant 0 : i32
      %dma_wait3A_24 = tpu.memref_slice %arg6[%mul3A_6, %dma_wait3A_23] : memref<8192x128xf32, #tpu.memory_space<hbm>> -> memref<256x128xf32, #tpu.memory_space<hbm>>
      tpu.wait_dma2 semaphore(%run_scoped3A : memref<!tpu.dma_semaphore, #tpu.memory_space<semaphore_mem>>) src(%arg10 : memref<256x128xf32, #tpu.memory_space<vmem>>) dst(%dma_wait3A_24 : memref<256x128xf32, #tpu.memory_space<hbm>>)
      tpu.yield
    }) : () -> ()
    %dma_wait3A_14 = arith.constant 0 : i32
    %dma_wait3A_15 = arith.constant 0 : i32
    %dma_wait3A_16 = tpu.memref_slice %arg5[%dma_wait3A_14, %dma_wait3A_15] : memref<100000x128xf32, #tpu.memory_space<hbm>> -> memref<100000x128xf32, #tpu.memory_space<hbm>>
    tpu.wait_indirect_dma semaphore(%arg13 : memref<!tpu.dma_semaphore, #tpu.memory_space<semaphore_mem>>) src(%dma_wait3A_16 : memref<100000x128xf32, #tpu.memory_space<hbm>>) dst(%arg11 : memref<256x128xf32, #tpu.memory_space<vmem>>)
    "tpu.region"() ({
      %run_scoped3A = tpu.sem_alloc : memref<!tpu.dma_semaphore, #tpu.memory_space<semaphore_mem>>
      %dma_start3A_17 = arith.constant 0 : i32
      %dma_start3A_18 = tpu.memref_slice %arg7[%mul3A_6, %dma_start3A_17] : memref<8192x128xf32, #tpu.memory_space<hbm>> -> memref<256x128xf32, #tpu.memory_space<hbm>>
      %dma_start3A_19 = arith.constant 0 : i32
      %dma_start3A_20 = tpu.memref_slice %arg7[%mul3A_6, %dma_start3A_19] : memref<8192x128xf32, #tpu.memory_space<hbm>> -> memref<256x128xf32, #tpu.memory_space<hbm>>
      tpu.enqueue_dma source(%arg11 : memref<256x128xf32, #tpu.memory_space<vmem>>) target(%dma_start3A_20 : memref<256x128xf32, #tpu.memory_space<hbm>>) target_semaphore(%run_scoped3A : memref<!tpu.dma_semaphore, #tpu.memory_space<semaphore_mem>>)
      %dma_wait3A_21 = arith.constant 0 : i32
      %dma_wait3A_22 = tpu.memref_slice %arg7[%mul3A_6, %dma_wait3A_21] : memref<8192x128xf32, #tpu.memory_space<hbm>> -> memref<256x128xf32, #tpu.memory_space<hbm>>
      %dma_wait3A_23 = arith.constant 0 : i32
      %dma_wait3A_24 = tpu.memref_slice %arg7[%mul3A_6, %dma_wait3A_23] : memref<8192x128xf32, #tpu.memory_space<hbm>> -> memref<256x128xf32, #tpu.memory_space<hbm>>
      tpu.wait_dma2 semaphore(%run_scoped3A : memref<!tpu.dma_semaphore, #tpu.memory_space<semaphore_mem>>) src(%arg11 : memref<256x128xf32, #tpu.memory_space<vmem>>) dst(%dma_wait3A_24 : memref<256x128xf32, #tpu.memory_space<hbm>>)
      tpu.yield
    }) : () -> ()
    return
  }
}

module attributes {stable_mosaic.version = 14 : i64} {
  func.func @_mlp_body(%arg0: i32, %arg1: memref<4096x128xf32, #tpu.memory_space<vmem>>, %arg2: memref<4096x128xf32, #tpu.memory_space<vmem>>, %arg3: memref<256x512xbf16, #tpu.memory_space<vmem>>, %arg4: memref<1x512xbf16, #tpu.memory_space<vmem>>, %arg5: memref<512x256xbf16, #tpu.memory_space<vmem>>, %arg6: memref<1x256xbf16, #tpu.memory_space<vmem>>, %arg7: memref<256x128xbf16, #tpu.memory_space<vmem>>, %arg8: memref<1x128xbf16, #tpu.memory_space<vmem>>, %arg9: memref<1x128xbf16, #tpu.memory_space<vmem>>, %arg10: memref<1x1xf32, #tpu.memory_space<vmem>>, %arg11: memref<4096xf32, #tpu.memory_space<vmem>>) attributes {dimension_semantics = [#tpu.dimension_semantics<arbitrary>], iteration_bounds = array<i64: 2>, scalar_prefetch = 0 : i64, scratch_operands = 0 : i64, tpu.core_type = #tpu.core_type<tc>, window_params = [{transform_indices = @transform_0, window_bounds = array<i64: 4096, 128>}, {transform_indices = @transform_1, window_bounds = array<i64: 4096, 128>}, {pipeline_mode = #tpu.pipeline_mode<synchronous>, transform_indices = @transform_2, window_bounds = array<i64: 256, 512>}, {pipeline_mode = #tpu.pipeline_mode<synchronous>, transform_indices = @transform_3, window_bounds = array<i64: 1, 512>}, {pipeline_mode = #tpu.pipeline_mode<synchronous>, transform_indices = @transform_4, window_bounds = array<i64: 512, 256>}, {pipeline_mode = #tpu.pipeline_mode<synchronous>, transform_indices = @transform_5, window_bounds = array<i64: 1, 256>}, {pipeline_mode = #tpu.pipeline_mode<synchronous>, transform_indices = @transform_6, window_bounds = array<i64: 256, 128>}, {pipeline_mode = #tpu.pipeline_mode<synchronous>, transform_indices = @transform_7, window_bounds = array<i64: 1, 128>}, {pipeline_mode = #tpu.pipeline_mode<synchronous>, transform_indices = @transform_8, window_bounds = array<i64: 1, 128>}, {pipeline_mode = #tpu.pipeline_mode<synchronous>, transform_indices = @transform_9, window_bounds = array<i64: 1, 1>}, {transform_indices = @transform_10, window_bounds = array<i64: 4096>}]} {
    %get3A = arith.constant 0 : index
    %get3A_0 = arith.constant 0 : index
    %get3A_1 = vector.load %arg1[%get3A, %get3A_0] : memref<4096x128xf32, #tpu.memory_space<vmem>>, vector<4096x128xf32>
    %get3A_2 = arith.constant 0 : index
    %get3A_3 = arith.constant 0 : index
    %get3A_4 = vector.load %arg2[%get3A_2, %get3A_3] : memref<4096x128xf32, #tpu.memory_space<vmem>>, vector<4096x128xf32>
    %concatenate3A = tpu.concatenate %get3A_1, %get3A_4 in 1 : vector<4096x128xf32>, vector<4096x128xf32> -> vector<4096x256xf32>
    %convert_element_type3A = arith.truncf %concatenate3A : vector<4096x256xf32> to vector<4096x256xbf16>
    %get3A_5 = arith.constant 0 : index
    %get3A_6 = arith.constant 0 : index
    %get3A_7 = vector.load %arg3[%get3A_5, %get3A_6] : memref<256x512xbf16, #tpu.memory_space<vmem>>, vector<256x512xbf16>
    %dot_general3A = arith.constant dense<0.000000e+00> : vector<4096x512xf32>
    %dot_general3A_8 = tpu.matmul %convert_element_type3A, %get3A_7, %dot_general3A {dimension_numbers = #tpu.dot_dimension_numbers<[1], [0], [0], [1], [0, 0, 1, 1], [], []>, transpose_lhs_hint = false} : vector<4096x256xbf16>, vector<256x512xbf16>, vector<4096x512xf32> -> vector<4096x512xf32>
    %convert_element_type3A_9 = arith.truncf %dot_general3A_8 : vector<4096x512xf32> to vector<4096x512xbf16>
    %get3A_10 = arith.constant 0 : index
    %get3A_11 = arith.constant 0 : index
    %get3A_12 = vector.load %arg4[%get3A_10, %get3A_11] : memref<1x512xbf16, #tpu.memory_space<vmem>>, vector<1x512xbf16>
    %add3A = vector.broadcast %get3A_12 : vector<1x512xbf16> to vector<4096x512xbf16>
    %add3A_13 = arith.addf %convert_element_type3A_9, %add3A : vector<4096x512xbf16>
    %max3A = arith.constant 0.000000e+00 : bf16
    %max3A_14 = vector.broadcast %max3A : bf16 to vector<4096x512xbf16>
    %max3A_15 = arith.maximumf %add3A_13, %max3A_14 : vector<4096x512xbf16>
    %get3A_16 = arith.constant 0 : index
    %get3A_17 = arith.constant 0 : index
    %get3A_18 = vector.load %arg5[%get3A_16, %get3A_17] : memref<512x256xbf16, #tpu.memory_space<vmem>>, vector<512x256xbf16>
    %dot_general3A_19 = arith.constant dense<0.000000e+00> : vector<4096x256xf32>
    %dot_general3A_20 = tpu.matmul %max3A_15, %get3A_18, %dot_general3A_19 {dimension_numbers = #tpu.dot_dimension_numbers<[1], [0], [0], [1], [0, 0, 1, 1], [], []>, transpose_lhs_hint = false} : vector<4096x512xbf16>, vector<512x256xbf16>, vector<4096x256xf32> -> vector<4096x256xf32>
    %convert_element_type3A_21 = arith.truncf %dot_general3A_20 : vector<4096x256xf32> to vector<4096x256xbf16>
    %get3A_22 = arith.constant 0 : index
    %get3A_23 = arith.constant 0 : index
    %get3A_24 = vector.load %arg6[%get3A_22, %get3A_23] : memref<1x256xbf16, #tpu.memory_space<vmem>>, vector<1x256xbf16>
    %add3A_25 = vector.broadcast %get3A_24 : vector<1x256xbf16> to vector<4096x256xbf16>
    %add3A_26 = arith.addf %convert_element_type3A_21, %add3A_25 : vector<4096x256xbf16>
    %max3A_27 = arith.constant 0.000000e+00 : bf16
    %max3A_28 = vector.broadcast %max3A_27 : bf16 to vector<4096x256xbf16>
    %max3A_29 = arith.maximumf %add3A_26, %max3A_28 : vector<4096x256xbf16>
    %get3A_30 = arith.constant 0 : index
    %get3A_31 = arith.constant 0 : index
    %get3A_32 = vector.load %arg7[%get3A_30, %get3A_31] : memref<256x128xbf16, #tpu.memory_space<vmem>>, vector<256x128xbf16>
    %dot_general3A_33 = arith.constant dense<0.000000e+00> : vector<4096x128xf32>
    %dot_general3A_34 = tpu.matmul %max3A_29, %get3A_32, %dot_general3A_33 {dimension_numbers = #tpu.dot_dimension_numbers<[1], [0], [0], [1], [0, 0, 1, 1], [], []>, transpose_lhs_hint = false} : vector<4096x256xbf16>, vector<256x128xbf16>, vector<4096x128xf32> -> vector<4096x128xf32>
    %convert_element_type3A_35 = arith.truncf %dot_general3A_34 : vector<4096x128xf32> to vector<4096x128xbf16>
    %get3A_36 = arith.constant 0 : index
    %get3A_37 = arith.constant 0 : index
    %get3A_38 = vector.load %arg8[%get3A_36, %get3A_37] : memref<1x128xbf16, #tpu.memory_space<vmem>>, vector<1x128xbf16>
    %add3A_39 = vector.broadcast %get3A_38 : vector<1x128xbf16> to vector<4096x128xbf16>
    %add3A_40 = arith.addf %convert_element_type3A_35, %add3A_39 : vector<4096x128xbf16>
    %max3A_41 = arith.constant 0.000000e+00 : bf16
    %max3A_42 = vector.broadcast %max3A_41 : bf16 to vector<4096x128xbf16>
    %max3A_43 = arith.maximumf %add3A_40, %max3A_42 : vector<4096x128xbf16>
    %get3A_44 = arith.constant 0 : index
    %get3A_45 = arith.constant 0 : index
    %get3A_46 = vector.load %arg9[%get3A_44, %get3A_45] : memref<1x128xbf16, #tpu.memory_space<vmem>>, vector<1x128xbf16>
    %dot_general3A_47 = arith.constant dense<0.000000e+00> : vector<1x4096xf32>
    %dot_general3A_48 = tpu.matmul %get3A_46, %max3A_43, %dot_general3A_47 {dimension_numbers = #tpu.dot_dimension_numbers<[1], [1], [0], [0], [0, 0, 1, 0], [], []>, transpose_lhs_hint = false} : vector<1x128xbf16>, vector<4096x128xbf16>, vector<1x4096xf32> -> vector<1x4096xf32>
    %get3A_49 = arith.constant 0 : index
    %get3A_50 = arith.constant 0 : index
    %get3A_51 = vector.load %arg10[%get3A_49, %get3A_50] : memref<1x1xf32, #tpu.memory_space<vmem>>, vector<1x1xf32>
    %add3A_52 = vector.broadcast %get3A_51 : vector<1x1xf32> to vector<1x4096xf32>
    %add3A_53 = arith.addf %dot_general3A_48, %add3A_52 : vector<1x4096xf32>
    %squeeze3A = vector.shape_cast %add3A_53 : vector<1x4096xf32> to vector<4096xf32>
    %swap3A = arith.constant 0 : index
    %swap3A_54 = vector.load %arg11[%swap3A] : memref<4096xf32, #tpu.memory_space<vmem>>, vector<4096xf32>
    tpu.vector_store %arg11[%swap3A], %squeeze3A {strides = array<i32>} : memref<4096xf32, #tpu.memory_space<vmem>>, vector<4096xf32>,
    return
  }
  func.func @transform_0(%arg0: i32) -> (i32, i32) {
    %c0_i32 = arith.constant 0 : i32
    %c0_i32_0 = arith.constant 0 : i32
    return %arg0, %c0_i32 : i32, i32
  }
  func.func @transform_1(%arg0: i32) -> (i32, i32) {
    %c0_i32 = arith.constant 0 : i32
    %c0_i32_0 = arith.constant 0 : i32
    return %arg0, %c0_i32 : i32, i32
  }
  func.func @transform_2(%arg0: i32) -> (i32, i32) {
    %c0_i32 = arith.constant 0 : i32
    %c0_i32_0 = arith.constant 0 : i32
    %c0_i32_1 = arith.constant 0 : i32
    return %c0_i32, %c0_i32_0 : i32, i32
  }
  func.func @transform_3(%arg0: i32) -> (i32, i32) {
    %c0_i32 = arith.constant 0 : i32
    %c0_i32_0 = arith.constant 0 : i32
    %c0_i32_1 = arith.constant 0 : i32
    return %c0_i32, %c0_i32_0 : i32, i32
  }
  func.func @transform_4(%arg0: i32) -> (i32, i32) {
    %c0_i32 = arith.constant 0 : i32
    %c0_i32_0 = arith.constant 0 : i32
    %c0_i32_1 = arith.constant 0 : i32
    return %c0_i32, %c0_i32_0 : i32, i32
  }
  func.func @transform_5(%arg0: i32) -> (i32, i32) {
    %c0_i32 = arith.constant 0 : i32
    %c0_i32_0 = arith.constant 0 : i32
    %c0_i32_1 = arith.constant 0 : i32
    return %c0_i32, %c0_i32_0 : i32, i32
  }
  func.func @transform_6(%arg0: i32) -> (i32, i32) {
    %c0_i32 = arith.constant 0 : i32
    %c0_i32_0 = arith.constant 0 : i32
    %c0_i32_1 = arith.constant 0 : i32
    return %c0_i32, %c0_i32_0 : i32, i32
  }
  func.func @transform_7(%arg0: i32) -> (i32, i32) {
    %c0_i32 = arith.constant 0 : i32
    %c0_i32_0 = arith.constant 0 : i32
    %c0_i32_1 = arith.constant 0 : i32
    return %c0_i32, %c0_i32_0 : i32, i32
  }
  func.func @transform_8(%arg0: i32) -> (i32, i32) {
    %c0_i32 = arith.constant 0 : i32
    %c0_i32_0 = arith.constant 0 : i32
    %c0_i32_1 = arith.constant 0 : i32
    return %c0_i32, %c0_i32_0 : i32, i32
  }
  func.func @transform_9(%arg0: i32) -> (i32, i32) {
    %c0_i32 = arith.constant 0 : i32
    %c0_i32_0 = arith.constant 0 : i32
    %c0_i32_1 = arith.constant 0 : i32
    return %c0_i32, %c0_i32_0 : i32, i32
  }
  func.func @transform_10(%arg0: i32) -> i32 {
    %add3A = arith.constant 0 : i32
    %add3A_0 = arith.addi %arg0, %add3A : i32
    %c0_i32 = arith.constant 0 : i32
    return %add3A_0 : i32
  }
}

module attributes {stable_mosaic.version = 14 : i64} {
  func.func @_mlp_body_acc(%arg0: i32, %arg1: memref<4096xf32, #tpu.memory_space<vmem>>, %arg2: memref<4096x128xf32, #tpu.memory_space<vmem>>, %arg3: memref<4096x128xf32, #tpu.memory_space<vmem>>, %arg4: memref<256x512xbf16, #tpu.memory_space<vmem>>, %arg5: memref<1x512xbf16, #tpu.memory_space<vmem>>, %arg6: memref<512x256xbf16, #tpu.memory_space<vmem>>, %arg7: memref<1x256xbf16, #tpu.memory_space<vmem>>, %arg8: memref<256x128xbf16, #tpu.memory_space<vmem>>, %arg9: memref<1x128xbf16, #tpu.memory_space<vmem>>, %arg10: memref<1x128xbf16, #tpu.memory_space<vmem>>, %arg11: memref<1x1xf32, #tpu.memory_space<vmem>>, %arg12: memref<4096xf32, #tpu.memory_space<vmem>>) attributes {dimension_semantics = [#tpu.dimension_semantics<arbitrary>], iteration_bounds = array<i64: 2>, scalar_prefetch = 0 : i64, scratch_operands = 0 : i64, tpu.core_type = #tpu.core_type<tc>, window_params = [{transform_indices = @transform_0, window_bounds = array<i64: 4096>}, {transform_indices = @transform_1, window_bounds = array<i64: 4096, 128>}, {transform_indices = @transform_2, window_bounds = array<i64: 4096, 128>}, {pipeline_mode = #tpu.pipeline_mode<synchronous>, transform_indices = @transform_3, window_bounds = array<i64: 256, 512>}, {pipeline_mode = #tpu.pipeline_mode<synchronous>, transform_indices = @transform_4, window_bounds = array<i64: 1, 512>}, {pipeline_mode = #tpu.pipeline_mode<synchronous>, transform_indices = @transform_5, window_bounds = array<i64: 512, 256>}, {pipeline_mode = #tpu.pipeline_mode<synchronous>, transform_indices = @transform_6, window_bounds = array<i64: 1, 256>}, {pipeline_mode = #tpu.pipeline_mode<synchronous>, transform_indices = @transform_7, window_bounds = array<i64: 256, 128>}, {pipeline_mode = #tpu.pipeline_mode<synchronous>, transform_indices = @transform_8, window_bounds = array<i64: 1, 128>}, {pipeline_mode = #tpu.pipeline_mode<synchronous>, transform_indices = @transform_9, window_bounds = array<i64: 1, 128>}, {pipeline_mode = #tpu.pipeline_mode<synchronous>, transform_indices = @transform_10, window_bounds = array<i64: 1, 1>}, {transform_indices = @transform_11, window_bounds = array<i64: 4096>}]} {
    %get3A = arith.constant 0 : index
    %get3A_0 = arith.constant 0 : index
    %get3A_1 = vector.load %arg2[%get3A, %get3A_0] : memref<4096x128xf32, #tpu.memory_space<vmem>>, vector<4096x128xf32>
    %get3A_2 = arith.constant 0 : index
    %get3A_3 = arith.constant 0 : index
    %get3A_4 = vector.load %arg3[%get3A_2, %get3A_3] : memref<4096x128xf32, #tpu.memory_space<vmem>>, vector<4096x128xf32>
    %concatenate3A = tpu.concatenate %get3A_1, %get3A_4 in 1 : vector<4096x128xf32>, vector<4096x128xf32> -> vector<4096x256xf32>
    %convert_element_type3A = arith.truncf %concatenate3A : vector<4096x256xf32> to vector<4096x256xbf16>
    %get3A_5 = arith.constant 0 : index
    %get3A_6 = arith.constant 0 : index
    %get3A_7 = vector.load %arg4[%get3A_5, %get3A_6] : memref<256x512xbf16, #tpu.memory_space<vmem>>, vector<256x512xbf16>
    %dot_general3A = arith.constant dense<0.000000e+00> : vector<4096x512xf32>
    %dot_general3A_8 = tpu.matmul %convert_element_type3A, %get3A_7, %dot_general3A {dimension_numbers = #tpu.dot_dimension_numbers<[1], [0], [0], [1], [0, 0, 1, 1], [], []>, transpose_lhs_hint = false} : vector<4096x256xbf16>, vector<256x512xbf16>, vector<4096x512xf32> -> vector<4096x512xf32>
    %convert_element_type3A_9 = arith.truncf %dot_general3A_8 : vector<4096x512xf32> to vector<4096x512xbf16>
    %get3A_10 = arith.constant 0 : index
    %get3A_11 = arith.constant 0 : index
    %get3A_12 = vector.load %arg5[%get3A_10, %get3A_11] : memref<1x512xbf16, #tpu.memory_space<vmem>>, vector<1x512xbf16>
    %add3A = vector.broadcast %get3A_12 : vector<1x512xbf16> to vector<4096x512xbf16>
    %add3A_13 = arith.addf %convert_element_type3A_9, %add3A : vector<4096x512xbf16>
    %max3A = arith.constant 0.000000e+00 : bf16
    %max3A_14 = vector.broadcast %max3A : bf16 to vector<4096x512xbf16>
    %max3A_15 = arith.maximumf %add3A_13, %max3A_14 : vector<4096x512xbf16>
    %get3A_16 = arith.constant 0 : index
    %get3A_17 = arith.constant 0 : index
    %get3A_18 = vector.load %arg6[%get3A_16, %get3A_17] : memref<512x256xbf16, #tpu.memory_space<vmem>>, vector<512x256xbf16>
    %dot_general3A_19 = arith.constant dense<0.000000e+00> : vector<4096x256xf32>
    %dot_general3A_20 = tpu.matmul %max3A_15, %get3A_18, %dot_general3A_19 {dimension_numbers = #tpu.dot_dimension_numbers<[1], [0], [0], [1], [0, 0, 1, 1], [], []>, transpose_lhs_hint = false} : vector<4096x512xbf16>, vector<512x256xbf16>, vector<4096x256xf32> -> vector<4096x256xf32>
    %convert_element_type3A_21 = arith.truncf %dot_general3A_20 : vector<4096x256xf32> to vector<4096x256xbf16>
    %get3A_22 = arith.constant 0 : index
    %get3A_23 = arith.constant 0 : index
    %get3A_24 = vector.load %arg7[%get3A_22, %get3A_23] : memref<1x256xbf16, #tpu.memory_space<vmem>>, vector<1x256xbf16>
    %add3A_25 = vector.broadcast %get3A_24 : vector<1x256xbf16> to vector<4096x256xbf16>
    %add3A_26 = arith.addf %convert_element_type3A_21, %add3A_25 : vector<4096x256xbf16>
    %max3A_27 = arith.constant 0.000000e+00 : bf16
    %max3A_28 = vector.broadcast %max3A_27 : bf16 to vector<4096x256xbf16>
    %max3A_29 = arith.maximumf %add3A_26, %max3A_28 : vector<4096x256xbf16>
    %get3A_30 = arith.constant 0 : index
    %get3A_31 = arith.constant 0 : index
    %get3A_32 = vector.load %arg8[%get3A_30, %get3A_31] : memref<256x128xbf16, #tpu.memory_space<vmem>>, vector<256x128xbf16>
    %dot_general3A_33 = arith.constant dense<0.000000e+00> : vector<4096x128xf32>
    %dot_general3A_34 = tpu.matmul %max3A_29, %get3A_32, %dot_general3A_33 {dimension_numbers = #tpu.dot_dimension_numbers<[1], [0], [0], [1], [0, 0, 1, 1], [], []>, transpose_lhs_hint = false} : vector<4096x256xbf16>, vector<256x128xbf16>, vector<4096x128xf32> -> vector<4096x128xf32>
    %convert_element_type3A_35 = arith.truncf %dot_general3A_34 : vector<4096x128xf32> to vector<4096x128xbf16>
    %get3A_36 = arith.constant 0 : index
    %get3A_37 = arith.constant 0 : index
    %get3A_38 = vector.load %arg9[%get3A_36, %get3A_37] : memref<1x128xbf16, #tpu.memory_space<vmem>>, vector<1x128xbf16>
    %add3A_39 = vector.broadcast %get3A_38 : vector<1x128xbf16> to vector<4096x128xbf16>
    %add3A_40 = arith.addf %convert_element_type3A_35, %add3A_39 : vector<4096x128xbf16>
    %max3A_41 = arith.constant 0.000000e+00 : bf16
    %max3A_42 = vector.broadcast %max3A_41 : bf16 to vector<4096x128xbf16>
    %max3A_43 = arith.maximumf %add3A_40, %max3A_42 : vector<4096x128xbf16>
    %get3A_44 = arith.constant 0 : index
    %get3A_45 = arith.constant 0 : index
    %get3A_46 = vector.load %arg10[%get3A_44, %get3A_45] : memref<1x128xbf16, #tpu.memory_space<vmem>>, vector<1x128xbf16>
    %dot_general3A_47 = arith.constant dense<0.000000e+00> : vector<1x4096xf32>
    %dot_general3A_48 = tpu.matmul %get3A_46, %max3A_43, %dot_general3A_47 {dimension_numbers = #tpu.dot_dimension_numbers<[1], [1], [0], [0], [0, 0, 1, 0], [], []>, transpose_lhs_hint = false} : vector<1x128xbf16>, vector<4096x128xbf16>, vector<1x4096xf32> -> vector<1x4096xf32>
    %get3A_49 = arith.constant 0 : index
    %get3A_50 = arith.constant 0 : index
    %get3A_51 = vector.load %arg11[%get3A_49, %get3A_50] : memref<1x1xf32, #tpu.memory_space<vmem>>, vector<1x1xf32>
    %add3A_52 = vector.broadcast %get3A_51 : vector<1x1xf32> to vector<1x4096xf32>
    %add3A_53 = arith.addf %dot_general3A_48, %add3A_52 : vector<1x4096xf32>
    %squeeze3A = vector.shape_cast %add3A_53 : vector<1x4096xf32> to vector<4096xf32>
    %swap3A = arith.constant 0 : index
    %swap3A_54 = vector.load %arg12[%swap3A] : memref<4096xf32, #tpu.memory_space<vmem>>, vector<4096xf32>
    tpu.vector_store %arg12[%swap3A], %squeeze3A {strides = array<i32>} : memref<4096xf32, #tpu.memory_space<vmem>>, vector<4096xf32>,
    return
  }
  func.func @transform_0(%arg0: i32) -> i32 {
    %add3A = arith.constant 2 : i32
    %add3A_0 = arith.addi %arg0, %add3A : i32
    %c0_i32 = arith.constant 0 : i32
    return %add3A_0 : i32
  }
  func.func @transform_1(%arg0: i32) -> (i32, i32) {
    %c0_i32 = arith.constant 0 : i32
    %c0_i32_0 = arith.constant 0 : i32
    return %arg0, %c0_i32 : i32, i32
  }
  func.func @transform_2(%arg0: i32) -> (i32, i32) {
    %c0_i32 = arith.constant 0 : i32
    %c0_i32_0 = arith.constant 0 : i32
    return %arg0, %c0_i32 : i32, i32
  }
  func.func @transform_3(%arg0: i32) -> (i32, i32) {
    %c0_i32 = arith.constant 0 : i32
    %c0_i32_0 = arith.constant 0 : i32
    %c0_i32_1 = arith.constant 0 : i32
    return %c0_i32, %c0_i32_0 : i32, i32
  }
  func.func @transform_4(%arg0: i32) -> (i32, i32) {
    %c0_i32 = arith.constant 0 : i32
    %c0_i32_0 = arith.constant 0 : i32
    %c0_i32_1 = arith.constant 0 : i32
    return %c0_i32, %c0_i32_0 : i32, i32
  }
  func.func @transform_5(%arg0: i32) -> (i32, i32) {
    %c0_i32 = arith.constant 0 : i32
    %c0_i32_0 = arith.constant 0 : i32
    %c0_i32_1 = arith.constant 0 : i32
    return %c0_i32, %c0_i32_0 : i32, i32
  }
  func.func @transform_6(%arg0: i32) -> (i32, i32) {
    %c0_i32 = arith.constant 0 : i32
    %c0_i32_0 = arith.constant 0 : i32
    %c0_i32_1 = arith.constant 0 : i32
    return %c0_i32, %c0_i32_0 : i32, i32
  }
  func.func @transform_7(%arg0: i32) -> (i32, i32) {
    %c0_i32 = arith.constant 0 : i32
    %c0_i32_0 = arith.constant 0 : i32
    %c0_i32_1 = arith.constant 0 : i32
    return %c0_i32, %c0_i32_0 : i32, i32
  }
  func.func @transform_8(%arg0: i32) -> (i32, i32) {
    %c0_i32 = arith.constant 0 : i32
    %c0_i32_0 = arith.constant 0 : i32
    %c0_i32_1 = arith.constant 0 : i32
    return %c0_i32, %c0_i32_0 : i32, i32
  }
  func.func @transform_9(%arg0: i32) -> (i32, i32) {
    %c0_i32 = arith.constant 0 : i32
    %c0_i32_0 = arith.constant 0 : i32
    %c0_i32_1 = arith.constant 0 : i32
    return %c0_i32, %c0_i32_0 : i32, i32
  }
  func.func @transform_10(%arg0: i32) -> (i32, i32) {
    %c0_i32 = arith.constant 0 : i32
    %c0_i32_0 = arith.constant 0 : i32
    %c0_i32_1 = arith.constant 0 : i32
    return %c0_i32, %c0_i32_0 : i32, i32
  }
  func.func @transform_11(%arg0: i32) -> i32 {
    %add3A = arith.constant 2 : i32
    %add3A_0 = arith.addi %arg0, %add3A : i32
    %c0_i32 = arith.constant 0 : i32
    return %add3A_0 : i32
  }
}

</mosaic_0001>

<sc_bundles>
// kernel: kernel.6.cloned.1.call-start
scs
__scs_entry_jumppad:
0x0: {  	(pc) =	sbr.rel $0x88, $3  }
0x1: {  	(tag) =	ssettag $0x0;
	lr =	simm.s32 $0x1  }
0x2: {  	[smem:$0x3F95] =	sst lr;
	_ =	strace $0xD0000000  }
0x3: {  	_ = 	snop  }
0x4: {  	_ = 	snop  }
0x5: {  	_ = 	snop  }
0x6: {  	_ = 	snop  }
0x7: {  	_ = 	snop  }
__scs_overlays_trampoline_lowered:
0x8: {  	[smem:$0x3FA4] =	sst s0  }
0x9: {  	[smem:$0x3FA5] =	sst s1  }
0xa: {  	[smem:$0x3FA6] =	sst s2  }
0xb: {  	[smem:$0x3FA7] =	sst s3  }
0xc: {  	[smem:$0x3FA8] =	sst s4  }
0xd: {  	[smem:$0x3FA9] =	sst s5  }
0xe: {  	[smem:$0x3FAA] =	sst s6  }
0xf: {  	[smem:$0x3FAB] =	sst s7  }
0x10: {  	[smem:$0x3FAC] =	sst s8  }
0x11: {  	[smem:$0x3FAD] =	sst s9;
	s0 =	simm.s32 @!p0 $0x0  }
0x12: {  	s1 =	sld [smem:$0x3F93];
	s0 =	simm.s32 @p0 $0x1  }
0x13: {  	[smem:$0x3FAE] =	sst s0;
	s0 =	simm.s32 @!p1 $0x0  }
0x14: {  	s2 =	sld [smem:$0x3F92];
	s0 =	simm.s32 @p1 $0x1  }
0x15: {  	[smem:$0x3FAF] =	sst s0;
	s0 =	simm.s32 @!p2 $0x0  }
0x16: {  	s3 =	sld [smem:$0x3FDB];
	s0 =	simm.s32 @p2 $0x1  }
0x17: {  	s4 =	simm.s32 $0x1BF5;
	[smem:$0x3FB1] =	sst s0  }
0x18: {  	s0 =	sld [smem:$0x3F94];
	_ =	swait.ge [sflag:s4], $0x0  }
0x19: {  	s7 =	sld [smem:$0x3F95]  }
0x1a: {  	s8 =	sadd.s32 $0xFFFFE003, lr  }
0x1b: {  	s9 =	sadd.s32 $0xFFFFFEF7, lr;
	s5 =	simm.s32 $0xFFFFFFFF;
	p2 =	slt.u32 s8, $0xFFFFF086  }
0x1c: {  	p1 =	slt.u32 s9, $0xF7A;
	s5 =	simm.s32 @!p2 $0x0  }
0x1d: {  	s5 =	simm.s32 @p1 $0x1;
	p0 =	seq.s32 s7, s2  }
0x1e: {  	s7 =	smul.u32 @!p0 $0xF7A, s2;
	p2 =	seq.s32 @!p0 s5, $0x0  }
0x1f: {  	s9 =	smul.u32 $0xF7A, s1;
	s8 =	simm.s32 @!p0 $0x1BF5;
	p2 =	por !p2, p0  }
0x20: {  	[sflag:s8] =	ssyncset.s32 @!p0 $0xFFFFF086;
	s6 =	sadd.s32 @!p0 s3, s7;
	s7 =	simm.s32 @!p0 $0x108  }
0x21: {  	s3 =	sadd.s32 s3, s9;
	s6 =	sadd.s32 @!p0 $0x88, s6;
	s7 =	simm.s32 @p2 $0x1082  }
0x22: {  	[simem:s7], [sflag:s8] =	dma.local @!p0 [hbm:s6], $0xF7A  }
0x23: {  	s9 =	sor.u32 $0xD0000000, s2;
	s6 =	simm.s32 $0x108;
	_ =	swait.ge @!p0 [sflag:s8], $0x0  }
0x24: {  	s3 =	sadd.s32 $0x88, s3;
	s6 =	simm.s32 @!p1 $0x1082;
	[sflag:s4] =	ssyncset.s32 $0xFFFFF086  }
0x25: {  	[simem:s6], [sflag:s4] =	dma.local [hbm:s3], $0xF7A  }
0x26: {  	[smem:$0x3F95] =	sst s1;
	(tag) =	ssettag s2;
	_ =	strace s9  }
0x27: {  	s1 =	sld [smem:$0x3FA5]  }
0x28: {  	s2 =	sld [smem:$0x3FA6]  }
0x29: {  	s4 =	sld [smem:$0x3FA8]  }
0x2a: {  	p0 =	seq.s32 s5, $0x0;
	s5 =	sld [smem:$0x3FA9]  }
0x2b: {  	s6 =	sld [smem:$0x3FAA]  }
0x2c: {  	s7 =	sld [smem:$0x3FAB]  }
0x2d: {  	s3 =	simm.s32 $0x108;
	s8 =	sld [smem:$0x3FAC]  }
0x2e: {  	s3 =	simm.s32 @!p0 $0x1082;
	s9 =	sld [smem:$0x3FAD]  }
0x2f: {  	lr =	sadd.s32 s0, s3;
	s0 =	sld [smem:$0x3FA4]  }
0x30: {  	s3 =	sld [smem:$0x3FA7]  }
0x31: {  	[smem:$0x3FB0] =	sst s10  }
0x32: {  	s10 =	sld [smem:$0x3FAE];
	_ =	sdelay $0x3  }
0x33: {  	p0 =	seq.s32 s10, $0x1;
	s10 =	sld [smem:$0x3FB0];
	_ =	sdelay $0x3  }
0x34: {  	[smem:$0x3FB0] =	sst s10  }
0x35: {  	s10 =	sld [smem:$0x3FAF];
	_ =	sdelay $0x3  }
0x36: {  	p1 =	seq.s32 s10, $0x1;
	s10 =	sld [smem:$0x3FB0];
	_ =	sdelay $0x3  }
0x37: {  	[smem:$0x3FB0] =	sst s10  }
0x38: {  	s10 =	sld [smem:$0x3FB1]  }
0x39: {  	_ = 	snop;
	(pc) =	sbr.ind lr, $3  }
0x3a: {  	_ = 	snop  }
0x3b: {  	_ = 	snop  }
0x3c: {  	p2 =	seq.s32 s10, $0x1;
	s10 =	sld [smem:$0x3FB0]  }
0x3d: {  	_ =	shalt  }
0x3e: {  	_ =	shalt  }
0x3f: {  	_ =	shalt  }
0x40: {  	_ =	shalt  }
0x41: {  	_ =	shalt  }
0x42: {  	_ =	shalt  }
0x43: {  	_ =	shalt  }
0x44: {  	_ =	shalt  }
0x45: {  	_ =	shalt  }
0x46: {  	_ =	shalt  }
0x47: {  	_ =	shalt  }
0x48: {  	_ =	shalt  }
0x49: {  	_ =	shalt  }
0x4a: {  	_ =	shalt  }
0x4b: {  	_ =	shalt  }
0x4c: {  	_ =	shalt  }
0x4d: {  	_ =	shalt  }
0x4e: {  	_ =	shalt  }
0x4f: {  	_ =	shalt  }
0x50: {  	_ =	shalt  }
0x51: {  	_ =	shalt  }
0x52: {  	_ =	shalt  }
0x53: {  	_ =	shalt  }
0x54: {  	_ =	shalt  }
0x55: {  	_ =	shalt  }
0x56: {  	_ =	shalt  }
0x57: {  	_ =	shalt  }
0x58: {  	_ =	shalt  }
0x59: {  	_ =	shalt  }
0x5a: {  	_ =	shalt  }
0x5b: {  	_ =	shalt  }
0x5c: {  	_ =	shalt  }
0x5d: {  	_ =	shalt  }
0x5e: {  	_ =	shalt  }
0x5f: {  	_ =	shalt  }
0x60: {  	_ =	shalt  }
0x61: {  	_ =	shalt  }
0x62: {  	_ =	shalt  }
0x63: {  	_ =	shalt  }
0x64: {  	_ =	shalt  }
0x65: {  	_ =	shalt  }
0x66: {  	_ =	shalt  }
0x67: {  	_ =	shalt  }
0x68: {  	_ =	shalt  }
0x69: {  	_ =	shalt  }
0x6a: {  	_ =	shalt  }
0x6b: {  	_ =	shalt  }
0x6c: {  	_ =	shalt  }
0x6d: {  	_ =	shalt  }
0x6e: {  	_ =	shalt  }
0x6f: {  	_ =	shalt  }
0x70: {  	_ =	shalt  }
0x71: {  	_ =	shalt  }
0x72: {  	_ =	shalt  }
0x73: {  	_ =	shalt  }
0x74: {  	_ =	shalt  }
0x75: {  	_ =	shalt  }
0x76: {  	_ =	shalt  }
0x77: {  	_ =	shalt  }
0x78: {  	_ =	shalt  }
0x79: {  	_ =	shalt  }
0x7a: {  	_ =	shalt  }
0x7b: {  	_ =	shalt  }
0x7c: {  	_ =	shalt  }
0x7d: {  	_ =	shalt  }
0x7e: {  	_ =	shalt  }
0x7f: {  	_ =	shalt  }
0x80: {  	_ =	shalt  }
0x81: {  	_ =	shalt  }
0x82: {  	_ =	shalt  }
0x83: {  	_ =	shalt  }
0x84: {  	_ =	shalt  }
0x85: {  	_ =	shalt  }
0x86: {  	_ =	shalt  }
0x87: {  	_ =	shalt  }
.Lfunc_end0:
.L_simem_size_0:
called_computation_lowered:
.L_overlay_start_0:
0x88: {  	s2 =	sld [smem:$0x3FD9]  }
0x89: {  	s3 =	sld [smem:$0x3FFE];
	_ =	sdelay $0x1  }
0x8a: {  	s1 =	srdreg.scid  }
0x8b: {  	s0 =	sand.u32 $0x1, s1  }
0x8c: {  	s17 =	sshll.u32 s0, $0xA;
	s2 =	sadd.s32 s3, s2  }
0x8d: {  	s2 =	sadd.s32 s2, s17  }
0x8e: {  	[smem:$0x3FBC] =	sst s2  }
0x8f: {  	_ = 	snop  }
0x90: {  	s2 =	sld [smem:$0x3FC9]  }
0x91: {  	s18 =	sld [smem:$0x3FC8]  }
0x92: {  	s4 =	sld [smem:$0x3FC7]  }
0x93: {  	s5 =	sld [smem:$0x3FC6];
	(tm) =	ssettm $0x1  }
0x94: {  	s6 =	sld [smem:$0x3FFB];
	_ =	sdelay $0x3  }
0x95: {  	_ =	strace s6  }
0x96: {  	s6 =	sld [smem:$0x3FFC];
	_ =	sdelay $0x3  }
0x97: {  	_ =	strace s6  }
0x98: {  	s6 =	sld [smem:$0x3FFD];
	_ =	sdelay $0x3  }
0x99: {  	_ =	strace s6  }
0x9a: {  	_ =	strace $0x8FFFFFFF  }
0x9b: {  	s19 =	sld [smem:$0x3FDB];
	_ =	sdelay $0x1  }
0x9c: {  	s7 =	simm.s32 $_scs_section_size  }
0x9d: {  	s8 =	simm.s32 $_size__tile_overlayer_lowered;
	s9 =	simm.s32 $_tile_overlayer_lowered  }
0x9e: {  	s22 =	simm.s32 $0x1BFF;
	s21 =	sshll.u32 s9, $0x1;
	s6 =	sadd.s32 s7, s19  }
0x9f: {  	s10 =	simm.s32 $0x0;
	s20 =	sshll.u32 s8, $0x1;
	s8 =	sadd.s32 s21, s6  }
0xa0: {  	[timem:s10], [sflag:s22] =	dma.local [hbm:s8], s20  }
0xa1: {  	_ =	swait.ge [sflag:s22], s20  }
0xa2: {  	s7 =	ssub.s32 $0x0, s20;
	[sflag:s22] =	ssyncset.done $0x0  }
0xa3: {  	[sflag:s22] =	ssyncadd.s32 s7;
	_ =	sdelay $0x1  }
0xa4: {  	s23 =	simm.s32 $0x1B8B  }
0xa5: {  	_ =	swait.ge [sflag:s23], $0x1  }
0xa6: {  	[sflag:s23] =	ssyncset.done $0x0  }
0xa7: {  	s25 =	simm.s32 $0x1B8E;
	s24 =	sld [smem:$0x3FFE];
	[sflag:s23] =	ssyncadd.s32 $0xFFFFFFFF  }
0xa8: {  	s26 =	simm.s32 $execute0_lowered;
	[smem:$0x3FD2] =	sst s25  }
0xa9: {  	s8 =	sshll.u32 s26, $0x1;
	_ =	strace $0x80000046;
	[dreg:$0x1] =	wrdreg $0xFFFFFFFF  }
0xaa: {  	s28 =	simm.s32 $_size_execute0_lowered;
	s6 =	sadd.s32 s6, s8;
	[dreg:$0x0] =	wrdreg $0x0  }
0xab: {  	s8 =	sshll.u32 s28, $0x1;
	[dreg:$0x2] =	wrdreg s6  }
0xac: {  	[dreg:$0x3] =	wrdreg s8  }
0xad: {  	[dreg:$0x4] =	wrdreg $0xC0  }
0xae: {  	_ =	task [dreg:s10], $0x5FFFF  }
0xaf: {  	[dreg:$0x1] =	wrdreg $0xFFFFFFFF  }
0xb0: {  	[dreg:$0x0] =	wrdreg $0x60  }
0xb1: {  	[dreg:$0x2] =	wrdreg s2  }
0xb2: {  	[dreg:$0x3] =	wrdreg s18  }
0xb3: {  	[dreg:$0x4] =	wrdreg s4  }
0xb4: {  	[dreg:$0x5] =	wrdreg s5  }
0xb5: {  	[dreg:$0x6] =	wrdreg s24  }
0xb6: {  	[dreg:$0x7] =	wrdreg $0x9  }
0xb7: {  	_ =	task.clear_ibuf [dreg:s10], $0x8FFFF;
	_ =	strace $0x90000046  }
0xb8: {  	s29 =	simm.s32 $0x9;
	_ =	strace $0x80000048  }
0xb9: {  	_ =	swait.ge [sflag:s29], $0x1  }
0xba: {  	[sflag:s29] =	ssyncadd.s32 $0xFFFFFFFF  }
0xbb: {  	_ =	strace $0x90000048  }
0xbc: {  	_ =	sfence  }
0xbd: {  	s30 =	sld [smem:$0x0];
	_ =	sdelay $0x2  }
0xbe: {  	s31 =	sshll.u32 s1, $0xD;
	s1 =	sshrl.u32 s1, $0x2  }
0xbf: {  	s3 =	sand.u32 $0x4000, s31;
	s1 =	sadd.s32 s1, s30  }
0xc0: {  	s0 =	sor.u32 s3, s0;
	s1 =	sshll.u32 s1, $0x11  }
0xc1: {  	s0 =	sor.u32 s1, s0  }
0xc2: {  	s0 =	sadd.s32 $0x8F2B, s0  }
0xc3: {  	[sflag:s0] =	ssyncadd.remote.s32 $0x1  }
0xc4: {  	_ =	sfence.sel $0xFFFF  }
0xc5: {  	[dreg:$0x0] =	wrdreg $0xFFFFFFFF;
	(pc) =	sbr.abs _section_cstart, $3  }
0xc6: {  	[dreg:$0x1] =	wrdreg $0xFFFFFFFF  }
0xc7: {  	_ =	task.clear_ibuf [dreg:s10], $0x2FFFF;
	_ =	strace $0x9FFFFFFF  }
0xc8: {  	(tm) =	ssettm $0x7FFFFFFF  }
0xc9: {  	_ =	shalt  }
tec
execute0_lowered:
.L_overlay_start_1:
0x0: {  	(tag) =	ssettag $0x1  }
0x1: {  	s5 =	rddreg [dreg:$0x0]  }
0x2: {  	s9 =	rddreg [dreg:$0x1]  }
0x3: {  	s1 =	rddreg [dreg:$0x2];
	s2 =	srdreg.scid  }
0x4: {  	s3 =	rddreg [dreg:$0x3];
	s0 =	stileid.u32;
	s13 =	sand.u32 $0x1, s2  }
0x5: {  	s12 =	rddreg [dreg:$0x4];
	s6 =	sshll.u32 s0, $0x9;
	s7 =	sshll.u32 s13, $0x8  }
0x6: {  	s4 =	simm.s32 $0x0;
	s2 =	rddreg [dreg:$0x5];
	s14 =	sor.u32 s7, s6  }
0x7: {  	[smem:$0x7FF] =	sst s4;
	s10 =	sshrl.u32 s14, $0x3  }
0x8: {  	_ =	strace $0x80000047;
	s6 =	sadd.s32 s5, s10;
	s5 =	simm.s32 $0x3  }
0x9: {  	[tilespmem:s4], [sflag:$0x3] =	stream.linear.gather [hbm4b:s6+s4], $0x100, $0x38;
	[tilespmem:$0x10200] =	vst v63  }
0xa: {  	_ =	swait.ge [sflag:s5], $0x100  }
0xb: {  	[sflag:s5] =	ssyncset.done $0x0  }
0xc: {  	s8 =	simm.s32 $0x200;
	s7 =	simm.s32 $0x100;
	[sflag:s5] =	ssyncadd.s32 $0xFFFFFF00  }
0xd: {  	[tilespmem:s8], [sflag:$0x1] =	stream.indirect.gather [hbm4b:s1+s7], $0x80, s4, s7, $0xb8;
	[tilespmem:$0x10200] =	vst v63  }
0xe: {  	s9 =	sadd.s32 s9, s10  }
0xf: {  	[tilespmem:s7], [sflag:$0x3] =	stream.linear.gather [hbm4b:s9+s4], $0x100, $0x38;
	[tilespmem:$0x10200] =	vst v63  }
0x10: {  	_ =	swait.ge [sflag:s5], $0x100  }
0x11: {  	[sflag:s5] =	ssyncset.done $0x0  }
0x12: {  	s11 =	simm.s32 $0x1;
	s10 =	simm.s32 $0x8200;
	[sflag:s5] =	ssyncadd.s32 $0xFFFFFF00  }
0x13: {  	[tilespmem:s10], [sflag:$0x2] =	stream.indirect.gather [hbm4b:s3+s7], $0x80, s7, s7, $0xb8;
	[tilespmem:$0x10200] =	vst v63  }
0x14: {  	s14 =	sshll.u32 s14, $0x4;
	_ =	swait.ge [sflag:s11], $0x8000  }
0x15: {  	s14 =	sadd.s32 s14, s12;
	[sflag:s11] =	ssyncset.done $0x0  }
0x16: {  	s15 =	ssub.s32 $0x2, s13;
	s12 =	sadd.s32 $0x2600, s14;
	[sflag:s11] =	ssyncadd.s32 $0xFFFF8000  }
0x17: {  	[hbm4b:s12+s4] =	stream.linear.scatter [tilespmem:s8], [sflag:$0x3], $0x8000, $0x38;
	[tilespmem:$0x10200] =	vst v63  }
0x18: {  	s16 =	sshrl.u32 s15, $0x1;
	_ =	swait.ge [sflag:s5], $0x8000  }
0x19: {  	s15 =	ssub.s32 s15, s16;
	[sflag:s5] =	ssyncset.done $0x0  }
0x1a: {  	s13 =	simm.s32 $0x2;
	s15 =	smax.u32 s15, $0x1;
	[sflag:s5] =	ssyncadd.s32 $0xFFFF8000  }
0x1b: {  	p0 =	sne.s32 s15, $0x1;
	_ =	swait.ge [sflag:s13], $0x8000  }
.Ltmp0:
0x1c: {  	[sflag:s13] =	ssyncset.done $0x0;
	(pc) =	sbr.rel @!p0 .LBB2_2-.Ltmp0, $4  }
0x1d: {  	s14 =	sadd.s32 $0x22600, s14;
	[sflag:s13] =	ssyncadd.s32 $0xFFFF8000  }
0x1e: {  	[hbm4b:s14+s4] =	stream.linear.scatter [tilespmem:s10], [sflag:$0x3], $0x8000, $0x38;
	[tilespmem:$0x10200] =	vst v63  }
0x1f: {  	_ =	swait.ge [sflag:s5], $0x8000  }
0x20: {  	s15 =	sadd.s32 $0xFFFFFFFF, s15;
	[sflag:s5] =	ssyncset.done $0x0  }
.LBB2_1:
0x21: {  	p0 =	sne.s32 s15, $0x1;
	s15 =	sadd.s32 $0xFFFFFFFF, s15;
	[sflag:s5] =	ssyncadd.s32 $0xFFFF8000  }
0x22: {  	[tilespmem:s4], [sflag:$0x3] =	stream.linear.gather [hbm4b:s6+s4], $0x100, $0x38;
	[tilespmem:$0x10200] =	vst v63  }
0x23: {  	_ =	swait.ge [sflag:s5], $0x100  }
0x24: {  	[sflag:s5] =	ssyncset.done $0x0  }
0x25: {  	[sflag:s5] =	ssyncadd.s32 $0xFFFFFF00  }
0x26: {  	[tilespmem:s8], [sflag:$0x1] =	stream.indirect.gather [hbm4b:s1+s7], $0x80, s4, s7, $0xb8;
	[tilespmem:$0x10200] =	vst v63  }
0x27: {  	_ = 	snop  }
0x28: {  	[tilespmem:s7], [sflag:$0x3] =	stream.linear.gather [hbm4b:s9+s4], $0x100, $0x38;
	[tilespmem:$0x10200] =	vst v63  }
0x29: {  	_ =	swait.ge [sflag:s5], $0x100  }
0x2a: {  	[sflag:s5] =	ssyncset.done $0x0  }
0x2b: {  	[sflag:s5] =	ssyncadd.s32 $0xFFFFFF00  }
0x2c: {  	[tilespmem:s10], [sflag:$0x2] =	stream.indirect.gather [hbm4b:s3+s7], $0x80, s7, s7, $0xb8;
	[tilespmem:$0x10200] =	vst v63  }
0x2d: {  	_ =	swait.ge [sflag:s11], $0x8000  }
0x2e: {  	[sflag:s11] =	ssyncset.done $0x0  }
0x2f: {  	[sflag:s11] =	ssyncadd.s32 $0xFFFF8000  }
0x30: {  	[hbm4b:s12+s4] =	stream.linear.scatter [tilespmem:s8], [sflag:$0x3], $0x8000, $0x38;
	[tilespmem:$0x10200] =	vst v63  }
0x31: {  	_ =	swait.ge [sflag:s5], $0x8000  }
0x32: {  	[sflag:s5] =	ssyncset.done $0x0  }
0x33: {  	[sflag:s5] =	ssyncadd.s32 $0xFFFF8000  }
0x34: {  	_ =	swait.ge [sflag:s13], $0x8000  }
.Ltmp1:
0x35: {  	[sflag:s13] =	ssyncset.done $0x0;
	(pc) =	sbr.rel @p0 .LBB2_1-.Ltmp1, $4  }
0x36: {  	[sflag:s13] =	ssyncadd.s32 $0xFFFF8000  }
0x37: {  	[hbm4b:s14+s4] =	stream.linear.scatter [tilespmem:s10], [sflag:$0x3], $0x8000, $0x38;
	[tilespmem:$0x10200] =	vst v63  }
0x38: {  	_ =	swait.ge [sflag:s5], $0x8000  }
0x39: {  	[sflag:s5] =	ssyncset.done $0x0  }
.LBB2_2:
0x3a: {  	[sflag:s5] =	ssyncadd.s32 $0xFFFF8000  }
0x3b: {  	_ =	sfence.sel $0x180000  }
0x3c: {  	[bflag:$0x0] =	sbarrier.arrive $0xFFFF  }
0x3d: {  	p0 =	sne.s32 s0, $0x0;
	_ =	strace $0x90000047  }
0x3e: {  	s0 =	sadd.s32 @!p0 $0x100000, s2;
	[bflag:$0x2] =	sbarrier.arrive $0xFFFF  }
0x3f: {  	[sflag:s0] =	ssyncadd.tile.s32 @!p0 $0x1;
	_ =	shalt  }
.Lfunc_end2:
_tile_overlayer_lowered:
.L_overlay_start_2:
0x40: {  	(tag) =	ssettag $0x2  }
0x41: {  	s0 =	rddreg [dreg:$0x0];
	s2 =	stileid.u32  }
0x42: {  	s1 =	rddreg [dreg:$0x1];
	p0 =	sne.s32 s2, $0x0  }
0x43: {  	s3 =	rddreg [dreg:$0x2];
	[bflag:$0x3] =	sbarrier.arrive $0xFFFF;
	s2 =	simm.s32 @!p0 $0x1C03  }
0x44: {  	[timem:s3], [sflag:s2] =	dma.local @!p0 [hbm:s0], s1  }
0x45: {  	s0 =	simm.s32 @!p0 $0x3  }
0x46: {  	_ =	swait.ge @!p0 [sflag:s0], s1  }
0x47: {  	s1 =	ssub.s32 @!p0 $0x0, s1;
	[sflag:s0] =	ssyncset.done @!p0 $0x0  }
0x48: {  	[sflag:s0] =	ssyncadd.s32 @!p0 s1  }
0x49: {  	[bflag:$0x3] =	sbarrier.arrive $0xFFFF  }
0x4a: {  	_ =	shalt  }

// kernel: kernel.9.cloned.1.call-start
scs
__scs_entry_jumppad:
0x0: {  	(pc) =	sbr.rel $0x88, $3  }
0x1: {  	(tag) =	ssettag $0x0;
	lr =	simm.s32 $0x1  }
0x2: {  	[smem:$0x3F95] =	sst lr;
	_ =	strace $0xD0000000  }
0x3: {  	_ = 	snop  }
0x4: {  	_ = 	snop  }
0x5: {  	_ = 	snop  }
0x6: {  	_ = 	snop  }
0x7: {  	_ = 	snop  }
__scs_overlays_trampoline_lowered:
0x8: {  	[smem:$0x3FA4] =	sst s0  }
0x9: {  	[smem:$0x3FA5] =	sst s1  }
0xa: {  	[smem:$0x3FA6] =	sst s2  }
0xb: {  	[smem:$0x3FA7] =	sst s3  }
0xc: {  	[smem:$0x3FA8] =	sst s4  }
0xd: {  	[smem:$0x3FA9] =	sst s5  }
0xe: {  	[smem:$0x3FAA] =	sst s6  }
0xf: {  	[smem:$0x3FAB] =	sst s7  }
0x10: {  	[smem:$0x3FAC] =	sst s8  }
0x11: {  	[smem:$0x3FAD] =	sst s9;
	s0 =	simm.s32 @!p0 $0x0  }
0x12: {  	s1 =	sld [smem:$0x3F93];
	s0 =	simm.s32 @p0 $0x1  }
0x13: {  	[smem:$0x3FAE] =	sst s0;
	s0 =	simm.s32 @!p1 $0x0  }
0x14: {  	s2 =	sld [smem:$0x3F92];
	s0 =	simm.s32 @p1 $0x1  }
0x15: {  	[smem:$0x3FAF] =	sst s0;
	s0 =	simm.s32 @!p2 $0x0  }
0x16: {  	s3 =	sld [smem:$0x3FDB];
	s0 =	simm.s32 @p2 $0x1  }
0x17: {  	s4 =	simm.s32 $0x1BF5;
	[smem:$0x3FB1] =	sst s0  }
0x18: {  	s0 =	sld [smem:$0x3F94];
	_ =	swait.ge [sflag:s4], $0x0  }
0x19: {  	s7 =	sld [smem:$0x3F95]  }
0x1a: {  	s8 =	sadd.s32 $0xFFFFE003, lr  }
0x1b: {  	s9 =	sadd.s32 $0xFFFFFEF7, lr;
	s5 =	simm.s32 $0xFFFFFFFF;
	p2 =	slt.u32 s8, $0xFFFFF086  }
0x1c: {  	p1 =	slt.u32 s9, $0xF7A;
	s5 =	simm.s32 @!p2 $0x0  }
0x1d: {  	s5 =	simm.s32 @p1 $0x1;
	p0 =	seq.s32 s7, s2  }
0x1e: {  	s7 =	smul.u32 @!p0 $0xF7A, s2;
	p2 =	seq.s32 @!p0 s5, $0x0  }
0x1f: {  	s9 =	smul.u32 $0xF7A, s1;
	s8 =	simm.s32 @!p0 $0x1BF5;
	p2 =	por !p2, p0  }
0x20: {  	[sflag:s8] =	ssyncset.s32 @!p0 $0xFFFFF086;
	s6 =	sadd.s32 @!p0 s3, s7;
	s7 =	simm.s32 @!p0 $0x108  }
0x21: {  	s3 =	sadd.s32 s3, s9;
	s6 =	sadd.s32 @!p0 $0x88, s6;
	s7 =	simm.s32 @p2 $0x1082  }
0x22: {  	[simem:s7], [sflag:s8] =	dma.local @!p0 [hbm:s6], $0xF7A  }
0x23: {  	s9 =	sor.u32 $0xD0000000, s2;
	s6 =	simm.s32 $0x108;
	_ =	swait.ge @!p0 [sflag:s8], $0x0  }
0x24: {  	s3 =	sadd.s32 $0x88, s3;
	s6 =	simm.s32 @!p1 $0x1082;
	[sflag:s4] =	ssyncset.s32 $0xFFFFF086  }
0x25: {  	[simem:s6], [sflag:s4] =	dma.local [hbm:s3], $0xF7A  }
0x26: {  	[smem:$0x3F95] =	sst s1;
	(tag) =	ssettag s2;
	_ =	strace s9  }
0x27: {  	s1 =	sld [smem:$0x3FA5]  }
0x28: {  	s2 =	sld [smem:$0x3FA6]  }
0x29: {  	s4 =	sld [smem:$0x3FA8]  }
0x2a: {  	p0 =	seq.s32 s5, $0x0;
	s5 =	sld [smem:$0x3FA9]  }
0x2b: {  	s6 =	sld [smem:$0x3FAA]  }
0x2c: {  	s7 =	sld [smem:$0x3FAB]  }
0x2d: {  	s3 =	simm.s32 $0x108;
	s8 =	sld [smem:$0x3FAC]  }
0x2e: {  	s3 =	simm.s32 @!p0 $0x1082;
	s9 =	sld [smem:$0x3FAD]  }
0x2f: {  	lr =	sadd.s32 s0, s3;
	s0 =	sld [smem:$0x3FA4]  }
0x30: {  	s3 =	sld [smem:$0x3FA7]  }
0x31: {  	[smem:$0x3FB0] =	sst s10  }
0x32: {  	s10 =	sld [smem:$0x3FAE];
	_ =	sdelay $0x3  }
0x33: {  	p0 =	seq.s32 s10, $0x1;
	s10 =	sld [smem:$0x3FB0];
	_ =	sdelay $0x3  }
0x34: {  	[smem:$0x3FB0] =	sst s10  }
0x35: {  	s10 =	sld [smem:$0x3FAF];
	_ =	sdelay $0x3  }
0x36: {  	p1 =	seq.s32 s10, $0x1;
	s10 =	sld [smem:$0x3FB0];
	_ =	sdelay $0x3  }
0x37: {  	[smem:$0x3FB0] =	sst s10  }
0x38: {  	s10 =	sld [smem:$0x3FB1]  }
0x39: {  	_ = 	snop;
	(pc) =	sbr.ind lr, $3  }
0x3a: {  	_ = 	snop  }
0x3b: {  	_ = 	snop  }
0x3c: {  	p2 =	seq.s32 s10, $0x1;
	s10 =	sld [smem:$0x3FB0]  }
0x3d: {  	_ =	shalt  }
0x3e: {  	_ =	shalt  }
0x3f: {  	_ =	shalt  }
0x40: {  	_ =	shalt  }
0x41: {  	_ =	shalt  }
0x42: {  	_ =	shalt  }
0x43: {  	_ =	shalt  }
0x44: {  	_ =	shalt  }
0x45: {  	_ =	shalt  }
0x46: {  	_ =	shalt  }
0x47: {  	_ =	shalt  }
0x48: {  	_ =	shalt  }
0x49: {  	_ =	shalt  }
0x4a: {  	_ =	shalt  }
0x4b: {  	_ =	shalt  }
0x4c: {  	_ =	shalt  }
0x4d: {  	_ =	shalt  }
0x4e: {  	_ =	shalt  }
0x4f: {  	_ =	shalt  }
0x50: {  	_ =	shalt  }
0x51: {  	_ =	shalt  }
0x52: {  	_ =	shalt  }
0x53: {  	_ =	shalt  }
0x54: {  	_ =	shalt  }
0x55: {  	_ =	shalt  }
0x56: {  	_ =	shalt  }
0x57: {  	_ =	shalt  }
0x58: {  	_ =	shalt  }
0x59: {  	_ =	shalt  }
0x5a: {  	_ =	shalt  }
0x5b: {  	_ =	shalt  }
0x5c: {  	_ =	shalt  }
0x5d: {  	_ =	shalt  }
0x5e: {  	_ =	shalt  }
0x5f: {  	_ =	shalt  }
0x60: {  	_ =	shalt  }
0x61: {  	_ =	shalt  }
0x62: {  	_ =	shalt  }
0x63: {  	_ =	shalt  }
0x64: {  	_ =	shalt  }
0x65: {  	_ =	shalt  }
0x66: {  	_ =	shalt  }
0x67: {  	_ =	shalt  }
0x68: {  	_ =	shalt  }
0x69: {  	_ =	shalt  }
0x6a: {  	_ =	shalt  }
0x6b: {  	_ =	shalt  }
0x6c: {  	_ =	shalt  }
0x6d: {  	_ =	shalt  }
0x6e: {  	_ =	shalt  }
0x6f: {  	_ =	shalt  }
0x70: {  	_ =	shalt  }
0x71: {  	_ =	shalt  }
0x72: {  	_ =	shalt  }
0x73: {  	_ =	shalt  }
0x74: {  	_ =	shalt  }
0x75: {  	_ =	shalt  }
0x76: {  	_ =	shalt  }
0x77: {  	_ =	shalt  }
0x78: {  	_ =	shalt  }
0x79: {  	_ =	shalt  }
0x7a: {  	_ =	shalt  }
0x7b: {  	_ =	shalt  }
0x7c: {  	_ =	shalt  }
0x7d: {  	_ =	shalt  }
0x7e: {  	_ =	shalt  }
0x7f: {  	_ =	shalt  }
0x80: {  	_ =	shalt  }
0x81: {  	_ =	shalt  }
0x82: {  	_ =	shalt  }
0x83: {  	_ =	shalt  }
0x84: {  	_ =	shalt  }
0x85: {  	_ =	shalt  }
0x86: {  	_ =	shalt  }
0x87: {  	_ =	shalt  }
.Lfunc_end0:
.L_simem_size_0:
called_computation.1_lowered:
.L_overlay_start_0:
0x88: {  	s2 =	sld [smem:$0x3FD9]  }
0x89: {  	s3 =	sld [smem:$0x3FFE];
	_ =	sdelay $0x1  }
0x8a: {  	s1 =	srdreg.scid  }
0x8b: {  	s0 =	sand.u32 $0x1, s1  }
0x8c: {  	s17 =	sshll.u32 s0, $0xA;
	s2 =	sadd.s32 s3, s2  }
0x8d: {  	s2 =	sadd.s32 s2, s17  }
0x8e: {  	[smem:$0x3FBC] =	sst s2  }
0x8f: {  	_ = 	snop  }
0x90: {  	s18 =	sld [smem:$0x3FC9]  }
0x91: {  	s4 =	sld [smem:$0x3FC8]  }
0x92: {  	s5 =	sld [smem:$0x3FC7]  }
0x93: {  	s6 =	sld [smem:$0x3FC6];
	(tm) =	ssettm $0x1  }
0x94: {  	s19 =	sld [smem:$0x3FFB];
	_ =	sdelay $0x3  }
0x95: {  	_ =	strace s19  }
0x96: {  	s2 =	sld [smem:$0x3FFC];
	_ =	sdelay $0x3  }
0x97: {  	_ =	strace s2  }
0x98: {  	s2 =	sld [smem:$0x3FFD];
	_ =	sdelay $0x3  }
0x99: {  	_ =	strace s2  }
0x9a: {  	_ =	strace $0x8FFFFFFF  }
0x9b: {  	s20 =	sld [smem:$0x3FDB];
	_ =	sdelay $0x1  }
0x9c: {  	s7 =	simm.s32 $_scs_section_size  }
0x9d: {  	s8 =	simm.s32 $_size__tile_overlayer_lowered;
	s9 =	simm.s32 $_tile_overlayer_lowered  }
0x9e: {  	s10 =	simm.s32 $0x1BFF;
	s21 =	sshll.u32 s9, $0x1;
	s7 =	sadd.s32 s7, s20  }
0x9f: {  	s22 =	simm.s32 $0x0;
	s8 =	sshll.u32 s8, $0x1;
	s9 =	sadd.s32 s21, s7  }
0xa0: {  	[timem:s22], [sflag:s10] =	dma.local [hbm:s9], s8  }
0xa1: {  	_ =	swait.ge [sflag:s10], s8  }
0xa2: {  	s8 =	ssub.s32 $0x0, s8;
	[sflag:s10] =	ssyncset.done $0x0  }
0xa3: {  	[sflag:s10] =	ssyncadd.s32 s8;
	_ =	sdelay $0x1  }
0xa4: {  	s23 =	simm.s32 $0x1B8B  }
0xa5: {  	_ =	swait.ge [sflag:s23], $0x1  }
0xa6: {  	[sflag:s23] =	ssyncset.done $0x0  }
0xa7: {  	[sflag:s23] =	ssyncadd.s32 $0xFFFFFFFF  }
0xa8: {  	s8 =	sld [smem:$0x0]  }
0xa9: {  	s9 =	sand.u32 $0xFFFFFFFE, s1  }
0xaa: {  	p0 =	sne.s32 s1, s9  }
0xab: {  	s9 =	sshll.u32 @p0 s9, $0xE  }
0xac: {  	s9 =	sadd.s32 @p0 $0x11B8D, s9;
	s10 =	sshll.u32 @p0 s8, $0x11  }
0xad: {  	s9 =	sor.u32 @p0 s10, s9  }
0xae: {  	[sflag:s9] =	ssyncadd.remote.s32 @p0 $0x1;
	_ =	sdelay $0x1  }
0xaf: {  	s9 =	simm.s32 @p0 $0x1B8D  }
0xb0: {  	_ =	swait.eq @p0 [sflag:s9], $0x1  }
0xb1: {  	[sflag:s9] =	ssyncadd.s32 @p0 $0xFFFFFFFF  }
0xb2: {  	s10 =	sshll.u32 @!p0 s1, $0xE  }
0xb3: {  	s10 =	sor.u32 @!p0 $0x4000, s10;
	s9 =	simm.s32 @!p0 $0x1B8D  }
0xb4: {  	s8 =	sshll.u32 @!p0 s8, $0x11;
	s10 =	sadd.s32 @!p0 $0x11B8D, s10;
	_ =	swait.eq @!p0 [sflag:s9], $0x1  }
0xb5: {  	s8 =	sor.u32 @!p0 s8, s10;
	[sflag:s9] =	ssyncadd.s32 @!p0 $0xFFFFFFFF  }
0xb6: {  	s25 =	simm.s32 $0x1B8E;
	s24 =	sld [smem:$0x3FFE];
	[sflag:s8] =	ssyncadd.remote.s32 @!p0 $0x1  }
0xb7: {  	s26 =	simm.s32 $execute0_lowered;
	[smem:$0x3FD2] =	sst s25  }
0xb8: {  	s9 =	sshll.u32 s26, $0x1;
	_ =	strace $0x80000049;
	[dreg:$0x1] =	wrdreg $0xFFFFFFFF  }
0xb9: {  	s28 =	simm.s32 $_size_execute0_lowered;
	s7 =	sadd.s32 s7, s9;
	[dreg:$0x0] =	wrdreg $0x0  }
0xba: {  	s9 =	sshll.u32 s28, $0x1;
	[dreg:$0x2] =	wrdreg s7  }
0xbb: {  	[dreg:$0x3] =	wrdreg s9  }
0xbc: {  	[dreg:$0x4] =	wrdreg $0xC0  }
0xbd: {  	_ =	task [dreg:s22], $0x5FFFF  }
0xbe: {  	[dreg:$0x1] =	wrdreg $0xFFFFFFFF  }
0xbf: {  	[dreg:$0x0] =	wrdreg $0x60  }
0xc0: {  	[dreg:$0x2] =	wrdreg s18  }
0xc1: {  	[dreg:$0x3] =	wrdreg s4  }
0xc2: {  	[dreg:$0x4] =	wrdreg s5  }
0xc3: {  	[dreg:$0x5] =	wrdreg s6  }
0xc4: {  	[dreg:$0x6] =	wrdreg s24  }
0xc5: {  	[dreg:$0x7] =	wrdreg $0xA  }
0xc6: {  	_ =	task.clear_ibuf [dreg:s22], $0x8FFFF;
	_ =	strace $0x90000049  }
0xc7: {  	s29 =	simm.s32 $0xA;
	_ =	strace $0x8000004B  }
0xc8: {  	_ =	swait.ge [sflag:s29], $0x1  }
0xc9: {  	[sflag:s29] =	ssyncadd.s32 $0xFFFFFFFF  }
0xca: {  	_ =	strace $0x9000004B  }
0xcb: {  	_ =	sfence  }
0xcc: {  	s30 =	sld [smem:$0x0];
	_ =	sdelay $0x2  }
0xcd: {  	s31 =	sshll.u32 s1, $0xD;
	s1 =	sshrl.u32 s1, $0x2  }
0xce: {  	s4 =	sand.u32 $0x4000, s31;
	s1 =	sadd.s32 s1, s30  }
0xcf: {  	s0 =	sor.u32 s4, s0;
	s1 =	sshll.u32 s1, $0x11  }
0xd0: {  	s0 =	sor.u32 s1, s0  }
0xd1: {  	s0 =	sadd.s32 $0x8F2B, s0  }
0xd2: {  	[sflag:s0] =	ssyncadd.remote.s32 $0x1  }
0xd3: {  	_ =	sfence.sel $0xFFFF  }
0xd4: {  	[dreg:$0x0] =	wrdreg $0xFFFFFFFF;
	(pc) =	sbr.abs _section_cstart, $3  }
0xd5: {  	[dreg:$0x1] =	wrdreg $0xFFFFFFFF  }
0xd6: {  	_ =	task.clear_ibuf [dreg:s22], $0x2FFFF;
	_ =	strace $0x9FFFFFFF  }
0xd7: {  	(tm) =	ssettm $0x7FFFFFFF  }
tec
execute0_lowered:
.L_overlay_start_1:
0x0: {  	(tag) =	ssettag $0x1  }
0x1: {  	s5 =	rddreg [dreg:$0x0]  }
0x2: {  	s9 =	rddreg [dreg:$0x1];
	s2 =	srdreg.scid  }
0x3: {  	s1 =	rddreg [dreg:$0x2];
	s0 =	stileid.u32;
	s13 =	sand.u32 $0x1, s2  }
0x4: {  	s3 =	rddreg [dreg:$0x3];
	s31 =	sshll.u32 s0, $0x9;
	s4 =	sshll.u32 s13, $0x8  }
0x5: {  	s12 =	rddreg [dreg:$0x4];
	s14 =	sor.u32 s4, s31  }
0x6: {  	s2 =	rddreg [dreg:$0x5];
	s4 =	simm.s32 $0x0;
	s6 =	sshrl.u32 s14, $0x3  }
0x7: {  	[smem:$0x7FF] =	sst s4;
	s10 =	sor.u32 $0x400, s6  }
0x8: {  	_ =	strace $0x8000004A;
	s6 =	sadd.s32 s5, s10;
	s5 =	simm.s32 $0x3  }
0x9: {  	[tilespmem:s4], [sflag:$0x3] =	stream.linear.gather [hbm4b:s6+s4], $0x100, $0x38;
	[tilespmem:$0x10200] =	vst v63  }
0xa: {  	_ =	swait.ge [sflag:s5], $0x100  }
0xb: {  	[sflag:s5] =	ssyncset.done $0x0  }
0xc: {  	s7 =	simm.s32 $0x100;
	s8 =	simm.s32 $0x200;
	[sflag:s5] =	ssyncadd.s32 $0xFFFFFF00  }
0xd: {  	[tilespmem:s8], [sflag:$0x1] =	stream.indirect.gather [hbm4b:s1+s7], $0x80, s4, s7, $0xb8;
	[tilespmem:$0x10200] =	vst v63  }
0xe: {  	s9 =	sadd.s32 s9, s10  }
0xf: {  	[tilespmem:s7], [sflag:$0x3] =	stream.linear.gather [hbm4b:s9+s4], $0x100, $0x38;
	[tilespmem:$0x10200] =	vst v63  }
0x10: {  	_ =	swait.ge [sflag:s5], $0x100  }
0x11: {  	[sflag:s5] =	ssyncset.done $0x0  }
0x12: {  	s11 =	simm.s32 $0x1;
	s10 =	simm.s32 $0x8200;
	[sflag:s5] =	ssyncadd.s32 $0xFFFFFF00  }
0x13: {  	[tilespmem:s10], [sflag:$0x2] =	stream.indirect.gather [hbm4b:s3+s7], $0x80, s7, s7, $0xb8;
	[tilespmem:$0x10200] =	vst v63  }
0x14: {  	s14 =	sshll.u32 s14, $0x4;
	_ =	swait.ge [sflag:s11], $0x8000  }
0x15: {  	s14 =	sadd.s32 s14, s12;
	[sflag:s11] =	ssyncset.done $0x0  }
0x16: {  	s15 =	ssub.s32 $0x2, s13;
	s12 =	sadd.s32 $0x42600, s14;
	[sflag:s11] =	ssyncadd.s32 $0xFFFF8000  }
0x17: {  	[hbm4b:s12+s4] =	stream.linear.scatter [tilespmem:s8], [sflag:$0x3], $0x8000, $0x38;
	[tilespmem:$0x10200] =	vst v63  }
0x18: {  	s16 =	sshrl.u32 s15, $0x1;
	_ =	swait.ge [sflag:s5], $0x8000  }
0x19: {  	s15 =	ssub.s32 s15, s16;
	[sflag:s5] =	ssyncset.done $0x0  }
0x1a: {  	s13 =	simm.s32 $0x2;
	s15 =	smax.u32 s15, $0x1;
	[sflag:s5] =	ssyncadd.s32 $0xFFFF8000  }
0x1b: {  	p0 =	sne.s32 s15, $0x1;
	_ =	swait.ge [sflag:s13], $0x8000  }
.Ltmp0:
0x1c: {  	[sflag:s13] =	ssyncset.done $0x0;
	(pc) =	sbr.rel @!p0 .LBB2_2-.Ltmp0, $4  }
0x1d: {  	s14 =	sadd.s32 $0x62600, s14;
	[sflag:s13] =	ssyncadd.s32 $0xFFFF8000  }
0x1e: {  	[hbm4b:s14+s4] =	stream.linear.scatter [tilespmem:s10], [sflag:$0x3], $0x8000, $0x38;
	[tilespmem:$0x10200] =	vst v63  }
0x1f: {  	_ =	swait.ge [sflag:s5], $0x8000  }
0x20: {  	s15 =	sadd.s32 $0xFFFFFFFF, s15;
	[sflag:s5] =	ssyncset.done $0x0  }
.LBB2_1:
0x21: {  	p0 =	sne.s32 s15, $0x1;
	s15 =	sadd.s32 $0xFFFFFFFF, s15;
	[sflag:s5] =	ssyncadd.s32 $0xFFFF8000  }
0x22: {  	[tilespmem:s4], [sflag:$0x3] =	stream.linear.gather [hbm4b:s6+s4], $0x100, $0x38;
	[tilespmem:$0x10200] =	vst v63  }
0x23: {  	_ =	swait.ge [sflag:s5], $0x100  }
0x24: {  	[sflag:s5] =	ssyncset.done $0x0  }
0x25: {  	[sflag:s5] =	ssyncadd.s32 $0xFFFFFF00  }
0x26: {  	[tilespmem:s8], [sflag:$0x1] =	stream.indirect.gather [hbm4b:s1+s7], $0x80, s4, s7, $0xb8;
	[tilespmem:$0x10200] =	vst v63  }
0x27: {  	_ = 	snop  }
0x28: {  	[tilespmem:s7], [sflag:$0x3] =	stream.linear.gather [hbm4b:s9+s4], $0x100, $0x38;
	[tilespmem:$0x10200] =	vst v63  }
0x29: {  	_ =	swait.ge [sflag:s5], $0x100  }
0x2a: {  	[sflag:s5] =	ssyncset.done $0x0  }
0x2b: {  	[sflag:s5] =	ssyncadd.s32 $0xFFFFFF00  }
0x2c: {  	[tilespmem:s10], [sflag:$0x2] =	stream.indirect.gather [hbm4b:s3+s7], $0x80, s7, s7, $0xb8;
	[tilespmem:$0x10200] =	vst v63  }
0x2d: {  	_ =	swait.ge [sflag:s11], $0x8000  }
0x2e: {  	[sflag:s11] =	ssyncset.done $0x0  }
0x2f: {  	[sflag:s11] =	ssyncadd.s32 $0xFFFF8000  }
0x30: {  	[hbm4b:s12+s4] =	stream.linear.scatter [tilespmem:s8], [sflag:$0x3], $0x8000, $0x38;
	[tilespmem:$0x10200] =	vst v63  }
0x31: {  	_ =	swait.ge [sflag:s5], $0x8000  }
0x32: {  	[sflag:s5] =	ssyncset.done $0x0  }
0x33: {  	[sflag:s5] =	ssyncadd.s32 $0xFFFF8000  }
0x34: {  	_ =	swait.ge [sflag:s13], $0x8000  }
.Ltmp1:
0x35: {  	[sflag:s13] =	ssyncset.done $0x0;
	(pc) =	sbr.rel @p0 .LBB2_1-.Ltmp1, $4  }
0x36: {  	[sflag:s13] =	ssyncadd.s32 $0xFFFF8000  }
0x37: {  	[hbm4b:s14+s4] =	stream.linear.scatter [tilespmem:s10], [sflag:$0x3], $0x8000, $0x38;
	[tilespmem:$0x10200] =	vst v63  }
0x38: {  	_ =	swait.ge [sflag:s5], $0x8000  }
0x39: {  	[sflag:s5] =	ssyncset.done $0x0  }
.LBB2_2:
0x3a: {  	[sflag:s5] =	ssyncadd.s32 $0xFFFF8000  }
0x3b: {  	_ =	sfence.sel $0x180000  }
0x3c: {  	[bflag:$0x0] =	sbarrier.arrive $0xFFFF  }
0x3d: {  	p0 =	sne.s32 s0, $0x0;
	_ =	strace $0x9000004A  }
0x3e: {  	s0 =	sadd.s32 @!p0 $0x100000, s2;
	[bflag:$0x2] =	sbarrier.arrive $0xFFFF  }
0x3f: {  	[sflag:s0] =	ssyncadd.tile.s32 @!p0 $0x1;
	_ =	shalt  }
.Lfunc_end2:
_tile_overlayer_lowered:
.L_overlay_start_2:
0x40: {  	(tag) =	ssettag $0x2  }
0x41: {  	s0 =	rddreg [dreg:$0x0];
	s2 =	stileid.u32  }
0x42: {  	s1 =	rddreg [dreg:$0x1];
	p0 =	sne.s32 s2, $0x0  }
0x43: {  	s3 =	rddreg [dreg:$0x2];
	[bflag:$0x3] =	sbarrier.arrive $0xFFFF;
	s2 =	simm.s32 @!p0 $0x1C03  }
0x44: {  	[timem:s3], [sflag:s2] =	dma.local @!p0 [hbm:s0], s1  }
0x45: {  	s0 =	simm.s32 @!p0 $0x3  }
0x46: {  	_ =	swait.ge @!p0 [sflag:s0], s1  }
0x47: {  	s1 =	ssub.s32 @!p0 $0x0, s1;
	[sflag:s0] =	ssyncset.done @!p0 $0x0  }
0x48: {  	[sflag:s0] =	ssyncadd.s32 @!p0 s1  }
0x49: {  	[bflag:$0x3] =	sbarrier.arrive $0xFFFF  }
0x4a: {  	_ =	shalt  }

</sc_bundles>
